<compile_context>
chip_gen: v7x
topology: tpu7x:2x2x1
jax: 0.10.2.dev20260603
libtpu: 0.0.44.dev20260713+nightly
codegen_flags: <defaults>
</compile_context>

<pallas_src>
import functools

import jax
import jax.numpy as jnp
from jax import lax
from jax.experimental import pallas as pl
from jax.experimental.pallas import tpu as pltpu
from jax.experimental.pallas import tpu_sc as plsc

_N = 100000
_D = 128
_G = 512
_NC = 2
_NS = 16
_NW = _NC * _NS
_B = 128
_PART = _N % _B
_NBLK = -(-_N // _B)
_BPW = -(-_NBLK // _NW)
_AR = 640

_mesh = plsc.VectorSubcoreMesh(core_axis_name="c", subcore_axis_name="s")
_params = pltpu.CompilerParams(needs_layout_passes=False)


def _pool_body(x_hbm, b_hbm, wg_hbm, part_hbm, xbuf, accx, wgbuf, ibuf):
    cid = lax.axis_index("c")
    sid = lax.axis_index("s")
    wid = sid * _NC + cid

    pltpu.sync_copy(wg_hbm, wgbuf)
    wgc = [wgbuf[pl.ds(c * 16, 16)] for c in range(_D // 16)]
    iota = lax.iota(jnp.int32, 16)
    ci = [iota + c * 16 for c in range(_D // 16)]

    def _zero_row(r, _):
        for c in range(_D // 16):
            accx[r, pl.ds(c * 16, 16)] = jnp.zeros((16,), jnp.float32)
        return 0
    lax.fori_loop(0, _AR, _zero_row, 0)

    def _process(size, s):
        pltpu.sync_copy(x_hbm.at[pl.ds(s, size)], xbuf.at[pl.ds(0, size)])
        pltpu.sync_copy(b_hbm.at[pl.ds(s, size)], ibuf.at[pl.ds(0, size)])

        @plsc.parallel_loop(0, size, 1, unroll=4)
        def _row(i):
            rid = plsc.load_gather(ibuf, [jnp.full((16,), i, jnp.int32)])
            dot = xbuf[i, pl.ds(0, 16)] * wgc[0]
            for c in range(1, _D // 16):
                dot = dot + xbuf[i, pl.ds(c * 16, 16)] * wgc[c]
            wv = jnp.exp(jnp.full((16,), jnp.sum(dot), jnp.float32))
            for c in range(_D // 16):
                plsc.addupdate_scatter(
                    accx, [rid, ci[c]], xbuf[i, pl.ds(c * 16, 16)] * wv)
            rid_w = (rid >> 3) + _G
            ci_w = ((rid & 7) << 4) + iota
            plsc.addupdate_scatter(accx, [rid_w, ci_w], wv)

    def _block(j, _):
        s = (j * _NW + wid) * _B

        @pl.when(s + _B <= _N)
        def _full():
            _process(_B, s)
        return 0
    lax.fori_loop(0, _BPW, _block, 0)

    @pl.when(wid == (_NBLK - 1) % _NW)
    def _partial():
        _process(_PART, _N - _PART)

    pltpu.sync_copy(accx, part_hbm.at[wid])


_sc_pool = functools.partial(
    pl.kernel,
    out_type=jax.ShapeDtypeStruct((_NW, _AR, _D), jnp.float32),
    mesh=_mesh,
    compiler_params=_params,
    scratch_types=[
        pltpu.VMEM((_B, _D), jnp.float32),
        pltpu.VMEM((_AR, _D), jnp.float32),
        pltpu.VMEM((_D,), jnp.float32),
        pltpu.VMEM((_B,), jnp.int32),
    ],
)(_pool_body)


def _fin_tc_body(p_ref, out_ref):
    acc = jnp.sum(p_ref[...], axis=0)
    num = acc[:_G, :]
    tail = acc[_G:_G + _G // 8, :]
    rep = jnp.reshape(
        jnp.broadcast_to(tail[:, None, :], (_G // 8, 8, _D)), (_G, _D))
    rowg = jax.lax.broadcasted_iota(jnp.int32, (_G, _D), 0)
    colg = jax.lax.broadcasted_iota(jnp.int32, (_G, _D), 1)
    sel = (colg == (rowg % 8) * 16).astype(jnp.float32)
    den = jnp.sum(rep * sel, axis=1, keepdims=True)
    out_ref[...] = num / (den + 1e-16)


def _fin_tc(part):
    return pl.pallas_call(
        _fin_tc_body,
        out_shape=jax.ShapeDtypeStruct((_G, _D), jnp.float32),
    )(part)


def kernel(x, batch, Wg, bg):
    del bg
    part = _sc_pool(x, batch.astype(jnp.int32), Wg.reshape(_D))
    return _fin_tc(part)

# --- scband reference (transcript-rebuilt; emitter-appended) ---
"""Pipeline reference for scband-global-attention-pooling-81724637708861 (READ-ONLY COPY).

The authoritative reference and input builder live on the scoring server;
editing this copy changes nothing except your own understanding.
"""

import jax, jax.numpy as jnp
import numpy as np

N = 100000
D = 128
G = 512


def setup_inputs(seed: int = 0) -> dict:
    key = jax.random.key(seed)
    k1, k2, k3, k4 = jax.random.split(key, 4)
    x = jax.random.normal(k1, (N, D), dtype=jnp.float32)
    batch = jnp.sort(jax.random.randint(k2, (N,), 0, G)).astype(jnp.int64)
    # gate_nn = nn.Linear(D, 1) parameters
    bound = 1.0 / np.sqrt(D)
    Wg = jax.random.uniform(k3, (D, 1), dtype=jnp.float32, minval=-bound, maxval=bound)
    bg = jax.random.uniform(k4, (1,), dtype=jnp.float32, minval=-bound, maxval=bound)
    return {"x": x, "batch": batch, "Wg": Wg, "bg": bg}


def reference(x, batch, Wg, bg):
    # PyG GlobalAttention: gate = gate_nn(x); gate = softmax(gate, batch); out = scatter_add(gate * x, batch)
    gate = x @ Wg + bg  # [N, 1]
    seg_max = jax.ops.segment_max(gate, batch, num_segments=G)  # [G, 1]
    seg_max = jnp.where(jnp.isfinite(seg_max), seg_max, 0.0)
    gate = jnp.exp(gate - seg_max[batch])  # [N, 1]
    denom = jax.ops.segment_sum(gate, batch, num_segments=G)  # [G, 1]
    alpha = gate / (denom[batch] + 1e-16)  # [N, 1]
    out = jax.ops.segment_sum(alpha * x, batch, num_segments=G)  # [G, D]
    return out

if __name__ == "__main__":
    import jax
    _d = setup_inputs()
    print(jax.jit(kernel)(*tuple(_d.values())))

</pallas_src>

<mosaic_0001>
#map = affine_map<(d0, d1) -> (0, 0)>
#map1 = affine_map<(d0, d1) -> (0)>
#map2 = affine_map<(d0, d1) -> (0, 0, 0)>
module attributes {stable_mosaic.version = 14 : i64} {
  func.func @_pool_body(%arg0: i32, %arg1: i32, %arg2: memref<100000x128xf32, #tpu.memory_space<hbm>>, %arg3: memref<100000xi32, #tpu.memory_space<hbm>>, %arg4: memref<128xf32, #tpu.memory_space<hbm>>, %arg5: memref<32x640x128xf32, #tpu.memory_space<hbm>>, %arg6: memref<128x128xf32, #tpu.memory_space<vmem>>, %arg7: memref<640x128xf32, #tpu.memory_space<vmem>>, %arg8: memref<128xf32, #tpu.memory_space<vmem>>, %arg9: memref<128xi32, #tpu.memory_space<vmem>>) attributes {dimension_semantics = [#tpu.dimension_semantics<core_parallel>, #tpu.dimension_semantics<subcore_parallel>], iteration_bounds = array<i64: 2, 16>, scalar_prefetch = 0 : i64, scratch_operands = 4 : i64, tpu.core_type = #tpu.core_type<sc_vector_subcore>, window_params = [{transform_indices = #map}, {transform_indices = #map1}, {transform_indices = #map1}, {transform_indices = #map2}]} {
    %mul3A = arith.constant 2 : i32
    %mul3A_0 = arith.muli %arg1, %mul3A : i32
    %add3A = arith.addi %mul3A_0, %arg0 : i32
    "tpu.region"() ({
      %run_scoped3A = tpu.sem_alloc : memref<!tpu.dma_semaphore, #tpu.memory_space<semaphore_mem>>
      tpu.enqueue_dma source(%arg4 : memref<128xf32, #tpu.memory_space<hbm>>) target(%arg8 : memref<128xf32, #tpu.memory_space<vmem>>) target_semaphore(%run_scoped3A : memref<!tpu.dma_semaphore, #tpu.memory_space<semaphore_mem>>)
      tpu.wait_dma2 semaphore(%run_scoped3A : memref<!tpu.dma_semaphore, #tpu.memory_space<semaphore_mem>>) src(%arg4 : memref<128xf32, #tpu.memory_space<hbm>>) dst(%arg8 : memref<128xf32, #tpu.memory_space<vmem>>)
      tpu.yield
    }) : () -> ()
    %get3A = arith.constant 0 : index
    %get3A_1 = tpu.vector_load %arg8[%get3A] {strides = array<i32>} : memref<128xf32, #tpu.memory_space<vmem>>, vector<16xf32>,
    %get3A_2 = arith.constant 16 : index
    %get3A_3 = tpu.vector_load %arg8[%get3A_2] {strides = array<i32>} : memref<128xf32, #tpu.memory_space<vmem>>, vector<16xf32>,
    %get3A_4 = arith.constant 32 : index
    %get3A_5 = tpu.vector_load %arg8[%get3A_4] {strides = array<i32>} : memref<128xf32, #tpu.memory_space<vmem>>, vector<16xf32>,
    %get3A_6 = arith.constant 48 : index
    %get3A_7 = tpu.vector_load %arg8[%get3A_6] {strides = array<i32>} : memref<128xf32, #tpu.memory_space<vmem>>, vector<16xf32>,
    %get3A_8 = arith.constant 64 : index
    %get3A_9 = tpu.vector_load %arg8[%get3A_8] {strides = array<i32>} : memref<128xf32, #tpu.memory_space<vmem>>, vector<16xf32>,
    %get3A_10 = arith.constant 80 : index
    %get3A_11 = tpu.vector_load %arg8[%get3A_10] {strides = array<i32>} : memref<128xf32, #tpu.memory_space<vmem>>, vector<16xf32>,
    %get3A_12 = arith.constant 96 : index
    %get3A_13 = tpu.vector_load %arg8[%get3A_12] {strides = array<i32>} : memref<128xf32, #tpu.memory_space<vmem>>, vector<16xf32>,
    %get3A_14 = arith.constant 112 : index
    %get3A_15 = tpu.vector_load %arg8[%get3A_14] {strides = array<i32>} : memref<128xf32, #tpu.memory_space<vmem>>, vector<16xf32>,
    %iota3A = tpu.iota {dimensions = array<i32: 0>} : vector<16xi32>
    %add3A_16 = arith.constant 0 : i32
    %add3A_17 = vector.broadcast %add3A_16 : i32 to vector<16xi32>
    %add3A_18 = arith.addi %iota3A, %add3A_17 : vector<16xi32>
    %add3A_19 = arith.constant 16 : i32
    %add3A_20 = vector.broadcast %add3A_19 : i32 to vector<16xi32>
    %add3A_21 = arith.addi %iota3A, %add3A_20 : vector<16xi32>
    %add3A_22 = arith.constant 32 : i32
    %add3A_23 = vector.broadcast %add3A_22 : i32 to vector<16xi32>
    %add3A_24 = arith.addi %iota3A, %add3A_23 : vector<16xi32>
    %add3A_25 = arith.constant 48 : i32
    %add3A_26 = vector.broadcast %add3A_25 : i32 to vector<16xi32>
    %add3A_27 = arith.addi %iota3A, %add3A_26 : vector<16xi32>
    %add3A_28 = arith.constant 64 : i32
    %add3A_29 = vector.broadcast %add3A_28 : i32 to vector<16xi32>
    %add3A_30 = arith.addi %iota3A, %add3A_29 : vector<16xi32>
    %add3A_31 = arith.constant 80 : i32
    %add3A_32 = vector.broadcast %add3A_31 : i32 to vector<16xi32>
    %add3A_33 = arith.addi %iota3A, %add3A_32 : vector<16xi32>
    %add3A_34 = arith.constant 96 : i32
    %add3A_35 = vector.broadcast %add3A_34 : i32 to vector<16xi32>
    %add3A_36 = arith.addi %iota3A, %add3A_35 : vector<16xi32>
    %add3A_37 = arith.constant 112 : i32
    %add3A_38 = vector.broadcast %add3A_37 : i32 to vector<16xi32>
    %add3A_39 = arith.addi %iota3A, %add3A_38 : vector<16xi32>
    %scan3A = arith.constant 0 : i32
    %scan3A_40 = arith.constant 0 : i32
    %scan3A_41 = arith.constant 640 : i32
    %scan3A_42 = arith.addi %scan3A_40, %scan3A_41 : i32
    %scan3A_43 = arith.constant 1 : i32
    %scan3A_44 = scf.for %scan3A_55 = %scan3A_40 to %scan3A_42 step %scan3A_43 iter_args(%scan3A_56 = %scan3A) -> (i32)  : i32 {
      %broadcast_in_dim3A = arith.constant 0.000000e+00 : f32
      %broadcast_in_dim3A_57 = vector.broadcast %broadcast_in_dim3A : f32 to vector<16xf32>
      %swap3A = arith.index_cast %scan3A_55 : i32 to index
      %swap3A_58 = arith.constant 0 : index
      %swap3A_59 = tpu.vector_load %arg7[%swap3A, %swap3A_58] {strides = array<i32>} : memref<640x128xf32, #tpu.memory_space<vmem>>, vector<16xf32>,
      tpu.vector_store %arg7[%swap3A, %swap3A_58], %broadcast_in_dim3A_57 {strides = array<i32>} : memref<640x128xf32, #tpu.memory_space<vmem>>, vector<16xf32>,
      %broadcast_in_dim3A_60 = arith.constant 0.000000e+00 : f32
      %broadcast_in_dim3A_61 = vector.broadcast %broadcast_in_dim3A_60 : f32 to vector<16xf32>
      %swap3A_62 = arith.index_cast %scan3A_55 : i32 to index
      %swap3A_63 = arith.constant 16 : index
      %swap3A_64 = tpu.vector_load %arg7[%swap3A_62, %swap3A_63] {strides = array<i32>} : memref<640x128xf32, #tpu.memory_space<vmem>>, vector<16xf32>,
      tpu.vector_store %arg7[%swap3A_62, %swap3A_63], %broadcast_in_dim3A_61 {strides = array<i32>} : memref<640x128xf32, #tpu.memory_space<vmem>>, vector<16xf32>,
      %broadcast_in_dim3A_65 = arith.constant 0.000000e+00 : f32
      %broadcast_in_dim3A_66 = vector.broadcast %broadcast_in_dim3A_65 : f32 to vector<16xf32>
      %swap3A_67 = arith.index_cast %scan3A_55 : i32 to index
      %swap3A_68 = arith.constant 32 : index
      %swap3A_69 = tpu.vector_load %arg7[%swap3A_67, %swap3A_68] {strides = array<i32>} : memref<640x128xf32, #tpu.memory_space<vmem>>, vector<16xf32>,
      tpu.vector_store %arg7[%swap3A_67, %swap3A_68], %broadcast_in_dim3A_66 {strides = array<i32>} : memref<640x128xf32, #tpu.memory_space<vmem>>, vector<16xf32>,
      %broadcast_in_dim3A_70 = arith.constant 0.000000e+00 : f32
      %broadcast_in_dim3A_71 = vector.broadcast %broadcast_in_dim3A_70 : f32 to vector<16xf32>
      %swap3A_72 = arith.index_cast %scan3A_55 : i32 to index
      %swap3A_73 = arith.constant 48 : index
      %swap3A_74 = tpu.vector_load %arg7[%swap3A_72, %swap3A_73] {strides = array<i32>} : memref<640x128xf32, #tpu.memory_space<vmem>>, vector<16xf32>,
      tpu.vector_store %arg7[%swap3A_72, %swap3A_73], %broadcast_in_dim3A_71 {strides = array<i32>} : memref<640x128xf32, #tpu.memory_space<vmem>>, vector<16xf32>,
      %broadcast_in_dim3A_75 = arith.constant 0.000000e+00 : f32
      %broadcast_in_dim3A_76 = vector.broadcast %broadcast_in_dim3A_75 : f32 to vector<16xf32>
      %swap3A_77 = arith.index_cast %scan3A_55 : i32 to index
      %swap3A_78 = arith.constant 64 : index
      %swap3A_79 = tpu.vector_load %arg7[%swap3A_77, %swap3A_78] {strides = array<i32>} : memref<640x128xf32, #tpu.memory_space<vmem>>, vector<16xf32>,
      tpu.vector_store %arg7[%swap3A_77, %swap3A_78], %broadcast_in_dim3A_76 {strides = array<i32>} : memref<640x128xf32, #tpu.memory_space<vmem>>, vector<16xf32>,
      %broadcast_in_dim3A_80 = arith.constant 0.000000e+00 : f32
      %broadcast_in_dim3A_81 = vector.broadcast %broadcast_in_dim3A_80 : f32 to vector<16xf32>
      %swap3A_82 = arith.index_cast %scan3A_55 : i32 to index
      %swap3A_83 = arith.constant 80 : index
      %swap3A_84 = tpu.vector_load %arg7[%swap3A_82, %swap3A_83] {strides = array<i32>} : memref<640x128xf32, #tpu.memory_space<vmem>>, vector<16xf32>,
      tpu.vector_store %arg7[%swap3A_82, %swap3A_83], %broadcast_in_dim3A_81 {strides = array<i32>} : memref<640x128xf32, #tpu.memory_space<vmem>>, vector<16xf32>,
      %broadcast_in_dim3A_85 = arith.constant 0.000000e+00 : f32
      %broadcast_in_dim3A_86 = vector.broadcast %broadcast_in_dim3A_85 : f32 to vector<16xf32>
      %swap3A_87 = arith.index_cast %scan3A_55 : i32 to index
      %swap3A_88 = arith.constant 96 : index
      %swap3A_89 = tpu.vector_load %arg7[%swap3A_87, %swap3A_88] {strides = array<i32>} : memref<640x128xf32, #tpu.memory_space<vmem>>, vector<16xf32>,
      tpu.vector_store %arg7[%swap3A_87, %swap3A_88], %broadcast_in_dim3A_86 {strides = array<i32>} : memref<640x128xf32, #tpu.memory_space<vmem>>, vector<16xf32>,
      %broadcast_in_dim3A_90 = arith.constant 0.000000e+00 : f32
      %broadcast_in_dim3A_91 = vector.broadcast %broadcast_in_dim3A_90 : f32 to vector<16xf32>
      %swap3A_92 = arith.index_cast %scan3A_55 : i32 to index
      %swap3A_93 = arith.constant 112 : index
      %swap3A_94 = tpu.vector_load %arg7[%swap3A_92, %swap3A_93] {strides = array<i32>} : memref<640x128xf32, #tpu.memory_space<vmem>>, vector<16xf32>,
      tpu.vector_store %arg7[%swap3A_92, %swap3A_93], %broadcast_in_dim3A_91 {strides = array<i32>} : memref<640x128xf32, #tpu.memory_space<vmem>>, vector<16xf32>,
      %scan3A_95 = arith.constant 0 : i32
      scf.yield %scan3A_95 : i32
    }
    %scan3A_45 = arith.constant 640 : i32
    %scan3A_46 = arith.constant 0 : i32
    %scan3A_47 = arith.constant 0 : i32
    %scan3A_48 = arith.constant 25 : i32
    %scan3A_49 = arith.addi %scan3A_47, %scan3A_48 : i32
    %scan3A_50 = arith.constant 1 : i32
    %scan3A_51 = scf.for %scan3A_55 = %scan3A_47 to %scan3A_49 step %scan3A_50 iter_args(%scan3A_56 = %scan3A_46) -> (i32)  : i32 {
      %mul3A_57 = arith.constant 32 : i32
      %mul3A_58 = arith.muli %scan3A_55, %mul3A_57 : i32
      %add3A_59 = arith.addi %mul3A_58, %add3A : i32
      %mul3A_60 = arith.constant 128 : i32
      %mul3A_61 = arith.muli %add3A_59, %mul3A_60 : i32
      %add3A_62 = arith.constant 128 : i32
      %add3A_63 = arith.addi %mul3A_61, %add3A_62 : i32
      %le3A = arith.constant 100000 : i32
      %le3A_64 = arith.cmpi sle, %add3A_63, %le3A : i32
      %convert_element_type3A_65 = arith.extui %le3A_64 : i1 to i32
      %cond3A_66 = arith.constant 0 : i32
      %cond3A_67 = arith.cmpi ne, %convert_element_type3A_65, %cond3A_66 : i32
      scf.if %cond3A_67 {
        "tpu.region"() ({
          %run_scoped3A = tpu.sem_alloc : memref<!tpu.dma_semaphore, #tpu.memory_space<semaphore_mem>>
          %dma_start3A = arith.constant 0 : i32
          %dma_start3A_71 = arith.constant 0 : i32
          %dma_start3A_72 = tpu.memref_slice %arg6[%dma_start3A, %dma_start3A_71] : memref<128x128xf32, #tpu.memory_space<vmem>> -> memref<128x128xf32, #tpu.memory_space<vmem>>
          %dma_start3A_73 = arith.constant 0 : i32
          %dma_start3A_74 = tpu.memref_slice %arg2[%mul3A_61, %dma_start3A_73] : memref<100000x128xf32, #tpu.memory_space<hbm>> -> memref<128x128xf32, #tpu.memory_space<hbm>>
          %dma_start3A_75 = arith.constant 0 : i32
          %dma_start3A_76 = arith.constant 0 : i32
          %dma_start3A_77 = tpu.memref_slice %arg6[%dma_start3A_75, %dma_start3A_76] : memref<128x128xf32, #tpu.memory_space<vmem>> -> memref<128x128xf32, #tpu.memory_space<vmem>>
          %dma_start3A_78 = arith.constant 0 : i32
          %dma_start3A_79 = tpu.memref_slice %arg2[%mul3A_61, %dma_start3A_78] : memref<100000x128xf32, #tpu.memory_space<hbm>> -> memref<128x128xf32, #tpu.memory_space<hbm>>
          tpu.enqueue_dma source(%dma_start3A_79 : memref<128x128xf32, #tpu.memory_space<hbm>>) target(%dma_start3A_77 : memref<128x128xf32, #tpu.memory_space<vmem>>) target_semaphore(%run_scoped3A : memref<!tpu.dma_semaphore, #tpu.memory_space<semaphore_mem>>)
          %dma_wait3A = arith.constant 0 : i32
          %dma_wait3A_80 = arith.constant 0 : i32
          %dma_wait3A_81 = tpu.memref_slice %arg6[%dma_wait3A, %dma_wait3A_80] : memref<128x128xf32, #tpu.memory_space<vmem>> -> memref<128x128xf32, #tpu.memory_space<vmem>>
          %dma_wait3A_82 = arith.constant 0 : i32
          %dma_wait3A_83 = tpu.memref_slice %arg2[%mul3A_61, %dma_wait3A_82] : memref<100000x128xf32, #tpu.memory_space<hbm>> -> memref<128x128xf32, #tpu.memory_space<hbm>>
          %dma_wait3A_84 = arith.constant 0 : i32
          %dma_wait3A_85 = arith.constant 0 : i32
          %dma_wait3A_86 = tpu.memref_slice %arg6[%dma_wait3A_84, %dma_wait3A_85] : memref<128x128xf32, #tpu.memory_space<vmem>> -> memref<128x128xf32, #tpu.memory_space<vmem>>
          %dma_wait3A_87 = arith.constant 0 : i32
          %dma_wait3A_88 = tpu.memref_slice %arg2[%mul3A_61, %dma_wait3A_87] : memref<100000x128xf32, #tpu.memory_space<hbm>> -> memref<128x128xf32, #tpu.memory_space<hbm>>
          tpu.wait_dma2 semaphore(%run_scoped3A : memref<!tpu.dma_semaphore, #tpu.memory_space<semaphore_mem>>) src(%dma_wait3A_88 : memref<128x128xf32, #tpu.memory_space<hbm>>) dst(%dma_wait3A_86 : memref<128x128xf32, #tpu.memory_space<vmem>>)
          tpu.yield
        }) : () -> ()
        "tpu.region"() ({
          %run_scoped3A = tpu.sem_alloc : memref<!tpu.dma_semaphore, #tpu.memory_space<semaphore_mem>>
          %dma_start3A = arith.constant 0 : i32
          %dma_start3A_71 = tpu.memref_slice %arg9[%dma_start3A] : memref<128xi32, #tpu.memory_space<vmem>> -> memref<128xi32, #tpu.memory_space<vmem>>
          %dma_start3A_72 = tpu.memref_slice %arg3[%mul3A_61] : memref<100000xi32, #tpu.memory_space<hbm>> -> memref<128xi32, #tpu.memory_space<hbm>>
          %dma_start3A_73 = arith.constant 0 : i32
          %dma_start3A_74 = tpu.memref_slice %arg9[%dma_start3A_73] : memref<128xi32, #tpu.memory_space<vmem>> -> memref<128xi32, #tpu.memory_space<vmem>>
          %dma_start3A_75 = tpu.memref_slice %arg3[%mul3A_61] : memref<100000xi32, #tpu.memory_space<hbm>> -> memref<128xi32, #tpu.memory_space<hbm>>
          tpu.enqueue_dma source(%dma_start3A_75 : memref<128xi32, #tpu.memory_space<hbm>>) target(%dma_start3A_74 : memref<128xi32, #tpu.memory_space<vmem>>) target_semaphore(%run_scoped3A : memref<!tpu.dma_semaphore, #tpu.memory_space<semaphore_mem>>)
          %dma_wait3A = arith.constant 0 : i32
          %dma_wait3A_76 = tpu.memref_slice %arg9[%dma_wait3A] : memref<128xi32, #tpu.memory_space<vmem>> -> memref<128xi32, #tpu.memory_space<vmem>>
          %dma_wait3A_77 = tpu.memref_slice %arg3[%mul3A_61] : memref<100000xi32, #tpu.memory_space<hbm>> -> memref<128xi32, #tpu.memory_space<hbm>>
          %dma_wait3A_78 = arith.constant 0 : i32
          %dma_wait3A_79 = tpu.memref_slice %arg9[%dma_wait3A_78] : memref<128xi32, #tpu.memory_space<vmem>> -> memref<128xi32, #tpu.memory_space<vmem>>
          %dma_wait3A_80 = tpu.memref_slice %arg3[%mul3A_61] : memref<100000xi32, #tpu.memory_space<hbm>> -> memref<128xi32, #tpu.memory_space<hbm>>
          tpu.wait_dma2 semaphore(%run_scoped3A : memref<!tpu.dma_semaphore, #tpu.memory_space<semaphore_mem>>) src(%dma_wait3A_80 : memref<128xi32, #tpu.memory_space<hbm>>) dst(%dma_wait3A_79 : memref<128xi32, #tpu.memory_space<vmem>>)
          tpu.yield
        }) : () -> ()
        %parallel_loop3A = arith.constant 0 : i32
        %parallel_loop3A_69 = arith.constant 128 : i32
        %parallel_loop3A_70 = arith.constant 1 : i32
        scf.for %parallel_loop3A_71 = %parallel_loop3A to %parallel_loop3A_69 step %parallel_loop3A_70  : i32 {
          %parallel_loop3A_72 = vector.broadcast %parallel_loop3A_71 : i32 to vector<16xi32>
          %parallel_loop3A_73 = tpu.vector_load_idx %arg9[%parallel_loop3A_72] : memref<128xi32, #tpu.memory_space<vmem>>[vector<16xi32>], vector<16xi32>,
          %parallel_loop3A_74 = arith.index_cast %parallel_loop3A_71 : i32 to index
          %parallel_loop3A_75 = arith.constant 0 : index
          %parallel_loop3A_76 = tpu.vector_load %arg6[%parallel_loop3A_74, %parallel_loop3A_75] {strides = array<i32>} : memref<128x128xf32, #tpu.memory_space<vmem>>, vector<16xf32>,
          %parallel_loop3A_77 = arith.mulf %parallel_loop3A_76, %get3A_1 : vector<16xf32>
          %parallel_loop3A_78 = arith.index_cast %parallel_loop3A_71 : i32 to index
          %parallel_loop3A_79 = arith.constant 16 : index
          %parallel_loop3A_80 = tpu.vector_load %arg6[%parallel_loop3A_78, %parallel_loop3A_79] {strides = array<i32>} : memref<128x128xf32, #tpu.memory_space<vmem>>, vector<16xf32>,
          %parallel_loop3A_81 = arith.mulf %parallel_loop3A_80, %get3A_3 : vector<16xf32>
          %parallel_loop3A_82 = arith.addf %parallel_loop3A_77, %parallel_loop3A_81 : vector<16xf32>
          %parallel_loop3A_83 = arith.index_cast %parallel_loop3A_71 : i32 to index
          %parallel_loop3A_84 = arith.constant 32 : index
          %parallel_loop3A_85 = tpu.vector_load %arg6[%parallel_loop3A_83, %parallel_loop3A_84] {strides = array<i32>} : memref<128x128xf32, #tpu.memory_space<vmem>>, vector<16xf32>,
          %parallel_loop3A_86 = arith.mulf %parallel_loop3A_85, %get3A_5 : vector<16xf32>
          %parallel_loop3A_87 = arith.addf %parallel_loop3A_82, %parallel_loop3A_86 : vector<16xf32>
          %parallel_loop3A_88 = arith.index_cast %parallel_loop3A_71 : i32 to index
          %parallel_loop3A_89 = arith.constant 48 : index
          %parallel_loop3A_90 = tpu.vector_load %arg6[%parallel_loop3A_88, %parallel_loop3A_89] {strides = array<i32>} : memref<128x128xf32, #tpu.memory_space<vmem>>, vector<16xf32>,
          %parallel_loop3A_91 = arith.mulf %parallel_loop3A_90, %get3A_7 : vector<16xf32>
          %parallel_loop3A_92 = arith.addf %parallel_loop3A_87, %parallel_loop3A_91 : vector<16xf32>
          %parallel_loop3A_93 = arith.index_cast %parallel_loop3A_71 : i32 to index
          %parallel_loop3A_94 = arith.constant 64 : index
          %parallel_loop3A_95 = tpu.vector_load %arg6[%parallel_loop3A_93, %parallel_loop3A_94] {strides = array<i32>} : memref<128x128xf32, #tpu.memory_space<vmem>>, vector<16xf32>,
          %parallel_loop3A_96 = arith.mulf %parallel_loop3A_95, %get3A_9 : vector<16xf32>
          %parallel_loop3A_97 = arith.addf %parallel_loop3A_92, %parallel_loop3A_96 : vector<16xf32>
          %parallel_loop3A_98 = arith.index_cast %parallel_loop3A_71 : i32 to index
          %parallel_loop3A_99 = arith.constant 80 : index
          %parallel_loop3A_100 = tpu.vector_load %arg6[%parallel_loop3A_98, %parallel_loop3A_99] {strides = array<i32>} : memref<128x128xf32, #tpu.memory_space<vmem>>, vector<16xf32>,
          %parallel_loop3A_101 = arith.mulf %parallel_loop3A_100, %get3A_11 : vector<16xf32>
          %parallel_loop3A_102 = arith.addf %parallel_loop3A_97, %parallel_loop3A_101 : vector<16xf32>
          %parallel_loop3A_103 = arith.index_cast %parallel_loop3A_71 : i32 to index
          %parallel_loop3A_104 = arith.constant 96 : index
          %parallel_loop3A_105 = tpu.vector_load %arg6[%parallel_loop3A_103, %parallel_loop3A_104] {strides = array<i32>} : memref<128x128xf32, #tpu.memory_space<vmem>>, vector<16xf32>,
          %parallel_loop3A_106 = arith.mulf %parallel_loop3A_105, %get3A_13 : vector<16xf32>
          %parallel_loop3A_107 = arith.addf %parallel_loop3A_102, %parallel_loop3A_106 : vector<16xf32>
          %parallel_loop3A_108 = arith.index_cast %parallel_loop3A_71 : i32 to index
          %parallel_loop3A_109 = arith.constant 112 : index
          %parallel_loop3A_110 = tpu.vector_load %arg6[%parallel_loop3A_108, %parallel_loop3A_109] {strides = array<i32>} : memref<128x128xf32, #tpu.memory_space<vmem>>, vector<16xf32>,
          %parallel_loop3A_111 = arith.mulf %parallel_loop3A_110, %get3A_15 : vector<16xf32>
          %parallel_loop3A_112 = arith.addf %parallel_loop3A_107, %parallel_loop3A_111 : vector<16xf32>
          %parallel_loop3A_113 = arith.constant true
          %parallel_loop3A_114 = vector.broadcast %parallel_loop3A_113 : i1 to vector<16xi1>
          %parallel_loop3A_115 = tpu.scan <sum>, %parallel_loop3A_112 masked %parallel_loop3A_114 : vector<16xf32>, vector<16xi1> -> vector<16xf32>
          %parallel_loop3A_116 = vector.extract %parallel_loop3A_115[15] : f32 from vector<16xf32>
          %parallel_loop3A_117 = vector.broadcast %parallel_loop3A_116 : f32 to vector<16xf32>
          %parallel_loop3A_118 = math.exp %parallel_loop3A_117 : vector<16xf32>
          %parallel_loop3A_119 = arith.index_cast %parallel_loop3A_71 : i32 to index
          %parallel_loop3A_120 = arith.constant 0 : index
          %parallel_loop3A_121 = tpu.vector_load %arg6[%parallel_loop3A_119, %parallel_loop3A_120] {strides = array<i32>} : memref<128x128xf32, #tpu.memory_space<vmem>>, vector<16xf32>,
          %parallel_loop3A_122 = arith.mulf %parallel_loop3A_121, %parallel_loop3A_118 : vector<16xf32>
          tpu.vector_store_idx %arg7[%parallel_loop3A_73, %add3A_18], %parallel_loop3A_122 {add = true} : memref<640x128xf32, #tpu.memory_space<vmem>>[vector<16xi32>, vector<16xi32>], vector<16xf32>,
          %parallel_loop3A_123 = arith.index_cast %parallel_loop3A_71 : i32 to index
          %parallel_loop3A_124 = arith.constant 16 : index
          %parallel_loop3A_125 = tpu.vector_load %arg6[%parallel_loop3A_123, %parallel_loop3A_124] {strides = array<i32>} : memref<128x128xf32, #tpu.memory_space<vmem>>, vector<16xf32>,
          %parallel_loop3A_126 = arith.mulf %parallel_loop3A_125, %parallel_loop3A_118 : vector<16xf32>
          tpu.vector_store_idx %arg7[%parallel_loop3A_73, %add3A_21], %parallel_loop3A_126 {add = true} : memref<640x128xf32, #tpu.memory_space<vmem>>[vector<16xi32>, vector<16xi32>], vector<16xf32>,
          %parallel_loop3A_127 = arith.index_cast %parallel_loop3A_71 : i32 to index
          %parallel_loop3A_128 = arith.constant 32 : index
          %parallel_loop3A_129 = tpu.vector_load %arg6[%parallel_loop3A_127, %parallel_loop3A_128] {strides = array<i32>} : memref<128x128xf32, #tpu.memory_space<vmem>>, vector<16xf32>,
          %parallel_loop3A_130 = arith.mulf %parallel_loop3A_129, %parallel_loop3A_118 : vector<16xf32>
          tpu.vector_store_idx %arg7[%parallel_loop3A_73, %add3A_24], %parallel_loop3A_130 {add = true} : memref<640x128xf32, #tpu.memory_space<vmem>>[vector<16xi32>, vector<16xi32>], vector<16xf32>,
          %parallel_loop3A_131 = arith.index_cast %parallel_loop3A_71 : i32 to index
          %parallel_loop3A_132 = arith.constant 48 : index
          %parallel_loop3A_133 = tpu.vector_load %arg6[%parallel_loop3A_131, %parallel_loop3A_132] {strides = array<i32>} : memref<128x128xf32, #tpu.memory_space<vmem>>, vector<16xf32>,
          %parallel_loop3A_134 = arith.mulf %parallel_loop3A_133, %parallel_loop3A_118 : vector<16xf32>
          tpu.vector_store_idx %arg7[%parallel_loop3A_73, %add3A_27], %parallel_loop3A_134 {add = true} : memref<640x128xf32, #tpu.memory_space<vmem>>[vector<16xi32>, vector<16xi32>], vector<16xf32>,
          %parallel_loop3A_135 = arith.index_cast %parallel_loop3A_71 : i32 to index
          %parallel_loop3A_136 = arith.constant 64 : index
          %parallel_loop3A_137 = tpu.vector_load %arg6[%parallel_loop3A_135, %parallel_loop3A_136] {strides = array<i32>} : memref<128x128xf32, #tpu.memory_space<vmem>>, vector<16xf32>,
          %parallel_loop3A_138 = arith.mulf %parallel_loop3A_137, %parallel_loop3A_118 : vector<16xf32>
          tpu.vector_store_idx %arg7[%parallel_loop3A_73, %add3A_30], %parallel_loop3A_138 {add = true} : memref<640x128xf32, #tpu.memory_space<vmem>>[vector<16xi32>, vector<16xi32>], vector<16xf32>,
          %parallel_loop3A_139 = arith.index_cast %parallel_loop3A_71 : i32 to index
          %parallel_loop3A_140 = arith.constant 80 : index
          %parallel_loop3A_141 = tpu.vector_load %arg6[%parallel_loop3A_139, %parallel_loop3A_140] {strides = array<i32>} : memref<128x128xf32, #tpu.memory_space<vmem>>, vector<16xf32>,
          %parallel_loop3A_142 = arith.mulf %parallel_loop3A_141, %parallel_loop3A_118 : vector<16xf32>
          tpu.vector_store_idx %arg7[%parallel_loop3A_73, %add3A_33], %parallel_loop3A_142 {add = true} : memref<640x128xf32, #tpu.memory_space<vmem>>[vector<16xi32>, vector<16xi32>], vector<16xf32>,
          %parallel_loop3A_143 = arith.index_cast %parallel_loop3A_71 : i32 to index
          %parallel_loop3A_144 = arith.constant 96 : index
          %parallel_loop3A_145 = tpu.vector_load %arg6[%parallel_loop3A_143, %parallel_loop3A_144] {strides = array<i32>} : memref<128x128xf32, #tpu.memory_space<vmem>>, vector<16xf32>,
          %parallel_loop3A_146 = arith.mulf %parallel_loop3A_145, %parallel_loop3A_118 : vector<16xf32>
          tpu.vector_store_idx %arg7[%parallel_loop3A_73, %add3A_36], %parallel_loop3A_146 {add = true} : memref<640x128xf32, #tpu.memory_space<vmem>>[vector<16xi32>, vector<16xi32>], vector<16xf32>,
          %parallel_loop3A_147 = arith.index_cast %parallel_loop3A_71 : i32 to index
          %parallel_loop3A_148 = arith.constant 112 : index
          %parallel_loop3A_149 = tpu.vector_load %arg6[%parallel_loop3A_147, %parallel_loop3A_148] {strides = array<i32>} : memref<128x128xf32, #tpu.memory_space<vmem>>, vector<16xf32>,
          %parallel_loop3A_150 = arith.mulf %parallel_loop3A_149, %parallel_loop3A_118 : vector<16xf32>
          tpu.vector_store_idx %arg7[%parallel_loop3A_73, %add3A_39], %parallel_loop3A_150 {add = true} : memref<640x128xf32, #tpu.memory_space<vmem>>[vector<16xi32>, vector<16xi32>], vector<16xf32>,
          %parallel_loop3A_151 = arith.constant 3 : i32
          %parallel_loop3A_152 = vector.broadcast %parallel_loop3A_151 : i32 to vector<16xi32>
          %parallel_loop3A_153 = arith.shrsi %parallel_loop3A_73, %parallel_loop3A_152 : vector<16xi32>
          %parallel_loop3A_154 = arith.constant 512 : i32
          %parallel_loop3A_155 = vector.broadcast %parallel_loop3A_154 : i32 to vector<16xi32>
          %parallel_loop3A_156 = arith.addi %parallel_loop3A_153, %parallel_loop3A_155 : vector<16xi32>
          %parallel_loop3A_157 = arith.constant 7 : i32
          %parallel_loop3A_158 = vector.broadcast %parallel_loop3A_157 : i32 to vector<16xi32>
          %parallel_loop3A_159 = arith.andi %parallel_loop3A_73, %parallel_loop3A_158 : vector<16xi32>
          %parallel_loop3A_160 = arith.constant 4 : i32
          %parallel_loop3A_161 = vector.broadcast %parallel_loop3A_160 : i32 to vector<16xi32>
          %parallel_loop3A_162 = arith.shli %parallel_loop3A_159, %parallel_loop3A_161 : vector<16xi32>
          %parallel_loop3A_163 = arith.addi %parallel_loop3A_162, %iota3A : vector<16xi32>
          tpu.vector_store_idx %arg7[%parallel_loop3A_156, %parallel_loop3A_163], %parallel_loop3A_118 {add = true} : memref<640x128xf32, #tpu.memory_space<vmem>>[vector<16xi32>, vector<16xi32>], vector<16xf32>,
        } {sc.loop_unroll_factor = 4 : i64, sc.parallel_access}
      } else {
      }
      %scan3A_68 = arith.constant 0 : i32
      scf.yield %scan3A_68 : i32
    }
    %scan3A_52 = arith.constant 25 : i32
    %eq3A = arith.constant 13 : i32
    %eq3A_53 = arith.cmpi eq, %add3A, %eq3A : i32
    %convert_element_type3A = arith.extui %eq3A_53 : i1 to i32
    %cond3A = arith.constant 0 : i32
    %cond3A_54 = arith.cmpi ne, %convert_element_type3A, %cond3A : i32
    scf.if %cond3A_54 {
      "tpu.region"() ({
        %run_scoped3A = tpu.sem_alloc : memref<!tpu.dma_semaphore, #tpu.memory_space<semaphore_mem>>
        %dma_start3A = arith.constant 0 : i32
        %dma_start3A_57 = arith.constant 0 : i32
        %dma_start3A_58 = tpu.memref_slice %arg6[%dma_start3A, %dma_start3A_57] : memref<128x128xf32, #tpu.memory_space<vmem>> -> memref<32x128xf32, #tpu.memory_space<vmem>>
        %dma_start3A_59 = arith.constant 99968 : i32
        %dma_start3A_60 = arith.constant 0 : i32
        %dma_start3A_61 = tpu.memref_slice %arg2[%dma_start3A_59, %dma_start3A_60] : memref<100000x128xf32, #tpu.memory_space<hbm>> -> memref<32x128xf32, #tpu.memory_space<hbm>>
        %dma_start3A_62 = arith.constant 0 : i32
        %dma_start3A_63 = arith.constant 0 : i32
        %dma_start3A_64 = tpu.memref_slice %arg6[%dma_start3A_62, %dma_start3A_63] : memref<128x128xf32, #tpu.memory_space<vmem>> -> memref<32x128xf32, #tpu.memory_space<vmem>>
        %dma_start3A_65 = arith.constant 99968 : i32
        %dma_start3A_66 = arith.constant 0 : i32
        %dma_start3A_67 = tpu.memref_slice %arg2[%dma_start3A_65, %dma_start3A_66] : memref<100000x128xf32, #tpu.memory_space<hbm>> -> memref<32x128xf32, #tpu.memory_space<hbm>>
        tpu.enqueue_dma source(%dma_start3A_67 : memref<32x128xf32, #tpu.memory_space<hbm>>) target(%dma_start3A_64 : memref<32x128xf32, #tpu.memory_space<vmem>>) target_semaphore(%run_scoped3A : memref<!tpu.dma_semaphore, #tpu.memory_space<semaphore_mem>>)
        %dma_wait3A = arith.constant 0 : i32
        %dma_wait3A_68 = arith.constant 0 : i32
        %dma_wait3A_69 = tpu.memref_slice %arg6[%dma_wait3A, %dma_wait3A_68] : memref<128x128xf32, #tpu.memory_space<vmem>> -> memref<32x128xf32, #tpu.memory_space<vmem>>
        %dma_wait3A_70 = arith.constant 99968 : i32
        %dma_wait3A_71 = arith.constant 0 : i32
        %dma_wait3A_72 = tpu.memref_slice %arg2[%dma_wait3A_70, %dma_wait3A_71] : memref<100000x128xf32, #tpu.memory_space<hbm>> -> memref<32x128xf32, #tpu.memory_space<hbm>>
        %dma_wait3A_73 = arith.constant 0 : i32
        %dma_wait3A_74 = arith.constant 0 : i32
        %dma_wait3A_75 = tpu.memref_slice %arg6[%dma_wait3A_73, %dma_wait3A_74] : memref<128x128xf32, #tpu.memory_space<vmem>> -> memref<32x128xf32, #tpu.memory_space<vmem>>
        %dma_wait3A_76 = arith.constant 99968 : i32
        %dma_wait3A_77 = arith.constant 0 : i32
        %dma_wait3A_78 = tpu.memref_slice %arg2[%dma_wait3A_76, %dma_wait3A_77] : memref<100000x128xf32, #tpu.memory_space<hbm>> -> memref<32x128xf32, #tpu.memory_space<hbm>>
        tpu.wait_dma2 semaphore(%run_scoped3A : memref<!tpu.dma_semaphore, #tpu.memory_space<semaphore_mem>>) src(%dma_wait3A_78 : memref<32x128xf32, #tpu.memory_space<hbm>>) dst(%dma_wait3A_75 : memref<32x128xf32, #tpu.memory_space<vmem>>)
        tpu.yield
      }) : () -> ()
      "tpu.region"() ({
        %run_scoped3A = tpu.sem_alloc : memref<!tpu.dma_semaphore, #tpu.memory_space<semaphore_mem>>
        %dma_start3A = arith.constant 0 : i32
        %dma_start3A_57 = tpu.memref_slice %arg9[%dma_start3A] : memref<128xi32, #tpu.memory_space<vmem>> -> memref<32xi32, #tpu.memory_space<vmem>>
        %dma_start3A_58 = arith.constant 99968 : i32
        %dma_start3A_59 = tpu.memref_slice %arg3[%dma_start3A_58] : memref<100000xi32, #tpu.memory_space<hbm>> -> memref<32xi32, #tpu.memory_space<hbm>>
        %dma_start3A_60 = arith.constant 0 : i32
        %dma_start3A_61 = tpu.memref_slice %arg9[%dma_start3A_60] : memref<128xi32, #tpu.memory_space<vmem>> -> memref<32xi32, #tpu.memory_space<vmem>>
        %dma_start3A_62 = arith.constant 99968 : i32
        %dma_start3A_63 = tpu.memref_slice %arg3[%dma_start3A_62] : memref<100000xi32, #tpu.memory_space<hbm>> -> memref<32xi32, #tpu.memory_space<hbm>>
        tpu.enqueue_dma source(%dma_start3A_63 : memref<32xi32, #tpu.memory_space<hbm>>) target(%dma_start3A_61 : memref<32xi32, #tpu.memory_space<vmem>>) target_semaphore(%run_scoped3A : memref<!tpu.dma_semaphore, #tpu.memory_space<semaphore_mem>>)
        %dma_wait3A = arith.constant 0 : i32
        %dma_wait3A_64 = tpu.memref_slice %arg9[%dma_wait3A] : memref<128xi32, #tpu.memory_space<vmem>> -> memref<32xi32, #tpu.memory_space<vmem>>
        %dma_wait3A_65 = arith.constant 99968 : i32
        %dma_wait3A_66 = tpu.memref_slice %arg3[%dma_wait3A_65] : memref<100000xi32, #tpu.memory_space<hbm>> -> memref<32xi32, #tpu.memory_space<hbm>>
        %dma_wait3A_67 = arith.constant 0 : i32
        %dma_wait3A_68 = tpu.memref_slice %arg9[%dma_wait3A_67] : memref<128xi32, #tpu.memory_space<vmem>> -> memref<32xi32, #tpu.memory_space<vmem>>
        %dma_wait3A_69 = arith.constant 99968 : i32
        %dma_wait3A_70 = tpu.memref_slice %arg3[%dma_wait3A_69] : memref<100000xi32, #tpu.memory_space<hbm>> -> memref<32xi32, #tpu.memory_space<hbm>>
        tpu.wait_dma2 semaphore(%run_scoped3A : memref<!tpu.dma_semaphore, #tpu.memory_space<semaphore_mem>>) src(%dma_wait3A_70 : memref<32xi32, #tpu.memory_space<hbm>>) dst(%dma_wait3A_68 : memref<32xi32, #tpu.memory_space<vmem>>)
        tpu.yield
      }) : () -> ()
      %parallel_loop3A = arith.constant 0 : i32
      %parallel_loop3A_55 = arith.constant 32 : i32
      %parallel_loop3A_56 = arith.constant 1 : i32
      scf.for %parallel_loop3A_57 = %parallel_loop3A to %parallel_loop3A_55 step %parallel_loop3A_56  : i32 {
        %parallel_loop3A_58 = vector.broadcast %parallel_loop3A_57 : i32 to vector<16xi32>
        %parallel_loop3A_59 = tpu.vector_load_idx %arg9[%parallel_loop3A_58] : memref<128xi32, #tpu.memory_space<vmem>>[vector<16xi32>], vector<16xi32>,
        %parallel_loop3A_60 = arith.index_cast %parallel_loop3A_57 : i32 to index
        %parallel_loop3A_61 = arith.constant 0 : index
        %parallel_loop3A_62 = tpu.vector_load %arg6[%parallel_loop3A_60, %parallel_loop3A_61] {strides = array<i32>} : memref<128x128xf32, #tpu.memory_space<vmem>>, vector<16xf32>,
        %parallel_loop3A_63 = arith.mulf %parallel_loop3A_62, %get3A_1 : vector<16xf32>
        %parallel_loop3A_64 = arith.index_cast %parallel_loop3A_57 : i32 to index
        %parallel_loop3A_65 = arith.constant 16 : index
        %parallel_loop3A_66 = tpu.vector_load %arg6[%parallel_loop3A_64, %parallel_loop3A_65] {strides = array<i32>} : memref<128x128xf32, #tpu.memory_space<vmem>>, vector<16xf32>,
        %parallel_loop3A_67 = arith.mulf %parallel_loop3A_66, %get3A_3 : vector<16xf32>
        %parallel_loop3A_68 = arith.addf %parallel_loop3A_63, %parallel_loop3A_67 : vector<16xf32>
        %parallel_loop3A_69 = arith.index_cast %parallel_loop3A_57 : i32 to index
        %parallel_loop3A_70 = arith.constant 32 : index
        %parallel_loop3A_71 = tpu.vector_load %arg6[%parallel_loop3A_69, %parallel_loop3A_70] {strides = array<i32>} : memref<128x128xf32, #tpu.memory_space<vmem>>, vector<16xf32>,
        %parallel_loop3A_72 = arith.mulf %parallel_loop3A_71, %get3A_5 : vector<16xf32>
        %parallel_loop3A_73 = arith.addf %parallel_loop3A_68, %parallel_loop3A_72 : vector<16xf32>
        %parallel_loop3A_74 = arith.index_cast %parallel_loop3A_57 : i32 to index
        %parallel_loop3A_75 = arith.constant 48 : index
        %parallel_loop3A_76 = tpu.vector_load %arg6[%parallel_loop3A_74, %parallel_loop3A_75] {strides = array<i32>} : memref<128x128xf32, #tpu.memory_space<vmem>>, vector<16xf32>,
        %parallel_loop3A_77 = arith.mulf %parallel_loop3A_76, %get3A_7 : vector<16xf32>
        %parallel_loop3A_78 = arith.addf %parallel_loop3A_73, %parallel_loop3A_77 : vector<16xf32>
        %parallel_loop3A_79 = arith.index_cast %parallel_loop3A_57 : i32 to index
        %parallel_loop3A_80 = arith.constant 64 : index
        %parallel_loop3A_81 = tpu.vector_load %arg6[%parallel_loop3A_79, %parallel_loop3A_80] {strides = array<i32>} : memref<128x128xf32, #tpu.memory_space<vmem>>, vector<16xf32>,
        %parallel_loop3A_82 = arith.mulf %parallel_loop3A_81, %get3A_9 : vector<16xf32>
        %parallel_loop3A_83 = arith.addf %parallel_loop3A_78, %parallel_loop3A_82 : vector<16xf32>
        %parallel_loop3A_84 = arith.index_cast %parallel_loop3A_57 : i32 to index
        %parallel_loop3A_85 = arith.constant 80 : index
        %parallel_loop3A_86 = tpu.vector_load %arg6[%parallel_loop3A_84, %parallel_loop3A_85] {strides = array<i32>} : memref<128x128xf32, #tpu.memory_space<vmem>>, vector<16xf32>,
        %parallel_loop3A_87 = arith.mulf %parallel_loop3A_86, %get3A_11 : vector<16xf32>
        %parallel_loop3A_88 = arith.addf %parallel_loop3A_83, %parallel_loop3A_87 : vector<16xf32>
        %parallel_loop3A_89 = arith.index_cast %parallel_loop3A_57 : i32 to index
        %parallel_loop3A_90 = arith.constant 96 : index
        %parallel_loop3A_91 = tpu.vector_load %arg6[%parallel_loop3A_89, %parallel_loop3A_90] {strides = array<i32>} : memref<128x128xf32, #tpu.memory_space<vmem>>, vector<16xf32>,
        %parallel_loop3A_92 = arith.mulf %parallel_loop3A_91, %get3A_13 : vector<16xf32>
        %parallel_loop3A_93 = arith.addf %parallel_loop3A_88, %parallel_loop3A_92 : vector<16xf32>
        %parallel_loop3A_94 = arith.index_cast %parallel_loop3A_57 : i32 to index
        %parallel_loop3A_95 = arith.constant 112 : index
        %parallel_loop3A_96 = tpu.vector_load %arg6[%parallel_loop3A_94, %parallel_loop3A_95] {strides = array<i32>} : memref<128x128xf32, #tpu.memory_space<vmem>>, vector<16xf32>,
        %parallel_loop3A_97 = arith.mulf %parallel_loop3A_96, %get3A_15 : vector<16xf32>
        %parallel_loop3A_98 = arith.addf %parallel_loop3A_93, %parallel_loop3A_97 : vector<16xf32>
        %parallel_loop3A_99 = arith.constant true
        %parallel_loop3A_100 = vector.broadcast %parallel_loop3A_99 : i1 to vector<16xi1>
        %parallel_loop3A_101 = tpu.scan <sum>, %parallel_loop3A_98 masked %parallel_loop3A_100 : vector<16xf32>, vector<16xi1> -> vector<16xf32>
        %parallel_loop3A_102 = vector.extract %parallel_loop3A_101[15] : f32 from vector<16xf32>
        %parallel_loop3A_103 = vector.broadcast %parallel_loop3A_102 : f32 to vector<16xf32>
        %parallel_loop3A_104 = math.exp %parallel_loop3A_103 : vector<16xf32>
        %parallel_loop3A_105 = arith.index_cast %parallel_loop3A_57 : i32 to index
        %parallel_loop3A_106 = arith.constant 0 : index
        %parallel_loop3A_107 = tpu.vector_load %arg6[%parallel_loop3A_105, %parallel_loop3A_106] {strides = array<i32>} : memref<128x128xf32, #tpu.memory_space<vmem>>, vector<16xf32>,
        %parallel_loop3A_108 = arith.mulf %parallel_loop3A_107, %parallel_loop3A_104 : vector<16xf32>
        tpu.vector_store_idx %arg7[%parallel_loop3A_59, %add3A_18], %parallel_loop3A_108 {add = true} : memref<640x128xf32, #tpu.memory_space<vmem>>[vector<16xi32>, vector<16xi32>], vector<16xf32>,
        %parallel_loop3A_109 = arith.index_cast %parallel_loop3A_57 : i32 to index
        %parallel_loop3A_110 = arith.constant 16 : index
        %parallel_loop3A_111 = tpu.vector_load %arg6[%parallel_loop3A_109, %parallel_loop3A_110] {strides = array<i32>} : memref<128x128xf32, #tpu.memory_space<vmem>>, vector<16xf32>,
        %parallel_loop3A_112 = arith.mulf %parallel_loop3A_111, %parallel_loop3A_104 : vector<16xf32>
        tpu.vector_store_idx %arg7[%parallel_loop3A_59, %add3A_21], %parallel_loop3A_112 {add = true} : memref<640x128xf32, #tpu.memory_space<vmem>>[vector<16xi32>, vector<16xi32>], vector<16xf32>,
        %parallel_loop3A_113 = arith.index_cast %parallel_loop3A_57 : i32 to index
        %parallel_loop3A_114 = arith.constant 32 : index
        %parallel_loop3A_115 = tpu.vector_load %arg6[%parallel_loop3A_113, %parallel_loop3A_114] {strides = array<i32>} : memref<128x128xf32, #tpu.memory_space<vmem>>, vector<16xf32>,
        %parallel_loop3A_116 = arith.mulf %parallel_loop3A_115, %parallel_loop3A_104 : vector<16xf32>
        tpu.vector_store_idx %arg7[%parallel_loop3A_59, %add3A_24], %parallel_loop3A_116 {add = true} : memref<640x128xf32, #tpu.memory_space<vmem>>[vector<16xi32>, vector<16xi32>], vector<16xf32>,
        %parallel_loop3A_117 = arith.index_cast %parallel_loop3A_57 : i32 to index
        %parallel_loop3A_118 = arith.constant 48 : index
        %parallel_loop3A_119 = tpu.vector_load %arg6[%parallel_loop3A_117, %parallel_loop3A_118] {strides = array<i32>} : memref<128x128xf32, #tpu.memory_space<vmem>>, vector<16xf32>,
        %parallel_loop3A_120 = arith.mulf %parallel_loop3A_119, %parallel_loop3A_104 : vector<16xf32>
        tpu.vector_store_idx %arg7[%parallel_loop3A_59, %add3A_27], %parallel_loop3A_120 {add = true} : memref<640x128xf32, #tpu.memory_space<vmem>>[vector<16xi32>, vector<16xi32>], vector<16xf32>,
        %parallel_loop3A_121 = arith.index_cast %parallel_loop3A_57 : i32 to index
        %parallel_loop3A_122 = arith.constant 64 : index
        %parallel_loop3A_123 = tpu.vector_load %arg6[%parallel_loop3A_121, %parallel_loop3A_122] {strides = array<i32>} : memref<128x128xf32, #tpu.memory_space<vmem>>, vector<16xf32>,
        %parallel_loop3A_124 = arith.mulf %parallel_loop3A_123, %parallel_loop3A_104 : vector<16xf32>
        tpu.vector_store_idx %arg7[%parallel_loop3A_59, %add3A_30], %parallel_loop3A_124 {add = true} : memref<640x128xf32, #tpu.memory_space<vmem>>[vector<16xi32>, vector<16xi32>], vector<16xf32>,
        %parallel_loop3A_125 = arith.index_cast %parallel_loop3A_57 : i32 to index
        %parallel_loop3A_126 = arith.constant 80 : index
        %parallel_loop3A_127 = tpu.vector_load %arg6[%parallel_loop3A_125, %parallel_loop3A_126] {strides = array<i32>} : memref<128x128xf32, #tpu.memory_space<vmem>>, vector<16xf32>,
        %parallel_loop3A_128 = arith.mulf %parallel_loop3A_127, %parallel_loop3A_104 : vector<16xf32>
        tpu.vector_store_idx %arg7[%parallel_loop3A_59, %add3A_33], %parallel_loop3A_128 {add = true} : memref<640x128xf32, #tpu.memory_space<vmem>>[vector<16xi32>, vector<16xi32>], vector<16xf32>,
        %parallel_loop3A_129 = arith.index_cast %parallel_loop3A_57 : i32 to index
        %parallel_loop3A_130 = arith.constant 96 : index
        %parallel_loop3A_131 = tpu.vector_load %arg6[%parallel_loop3A_129, %parallel_loop3A_130] {strides = array<i32>} : memref<128x128xf32, #tpu.memory_space<vmem>>, vector<16xf32>,
        %parallel_loop3A_132 = arith.mulf %parallel_loop3A_131, %parallel_loop3A_104 : vector<16xf32>
        tpu.vector_store_idx %arg7[%parallel_loop3A_59, %add3A_36], %parallel_loop3A_132 {add = true} : memref<640x128xf32, #tpu.memory_space<vmem>>[vector<16xi32>, vector<16xi32>], vector<16xf32>,
        %parallel_loop3A_133 = arith.index_cast %parallel_loop3A_57 : i32 to index
        %parallel_loop3A_134 = arith.constant 112 : index
        %parallel_loop3A_135 = tpu.vector_load %arg6[%parallel_loop3A_133, %parallel_loop3A_134] {strides = array<i32>} : memref<128x128xf32, #tpu.memory_space<vmem>>, vector<16xf32>,
        %parallel_loop3A_136 = arith.mulf %parallel_loop3A_135, %parallel_loop3A_104 : vector<16xf32>
        tpu.vector_store_idx %arg7[%parallel_loop3A_59, %add3A_39], %parallel_loop3A_136 {add = true} : memref<640x128xf32, #tpu.memory_space<vmem>>[vector<16xi32>, vector<16xi32>], vector<16xf32>,
        %parallel_loop3A_137 = arith.constant 3 : i32
        %parallel_loop3A_138 = vector.broadcast %parallel_loop3A_137 : i32 to vector<16xi32>
        %parallel_loop3A_139 = arith.shrsi %parallel_loop3A_59, %parallel_loop3A_138 : vector<16xi32>
        %parallel_loop3A_140 = arith.constant 512 : i32
        %parallel_loop3A_141 = vector.broadcast %parallel_loop3A_140 : i32 to vector<16xi32>
        %parallel_loop3A_142 = arith.addi %parallel_loop3A_139, %parallel_loop3A_141 : vector<16xi32>
        %parallel_loop3A_143 = arith.constant 7 : i32
        %parallel_loop3A_144 = vector.broadcast %parallel_loop3A_143 : i32 to vector<16xi32>
        %parallel_loop3A_145 = arith.andi %parallel_loop3A_59, %parallel_loop3A_144 : vector<16xi32>
        %parallel_loop3A_146 = arith.constant 4 : i32
        %parallel_loop3A_147 = vector.broadcast %parallel_loop3A_146 : i32 to vector<16xi32>
        %parallel_loop3A_148 = arith.shli %parallel_loop3A_145, %parallel_loop3A_147 : vector<16xi32>
        %parallel_loop3A_149 = arith.addi %parallel_loop3A_148, %iota3A : vector<16xi32>
        tpu.vector_store_idx %arg7[%parallel_loop3A_142, %parallel_loop3A_149], %parallel_loop3A_104 {add = true} : memref<640x128xf32, #tpu.memory_space<vmem>>[vector<16xi32>, vector<16xi32>], vector<16xf32>,
      } {sc.loop_unroll_factor = 4 : i64, sc.parallel_access}
    } else {
    }
    "tpu.region"() ({
      %run_scoped3A = tpu.sem_alloc : memref<!tpu.dma_semaphore, #tpu.memory_space<semaphore_mem>>
      %dma_start3A = arith.constant 0 : i32
      %dma_start3A_55 = arith.constant 0 : i32
      %dma_start3A_56 = tpu.memref_slice %arg5[%add3A, %dma_start3A, %dma_start3A_55] : memref<32x640x128xf32, #tpu.memory_space<hbm>> -> memref<1x640x128xf32, #tpu.memory_space<hbm>>
      %dma_start3A_57 = tpu.memref_squeeze %dma_start3A_56 : memref<1x640x128xf32, #tpu.memory_space<hbm>> -> memref<640x128xf32, #tpu.memory_space<hbm>>
      %dma_start3A_58 = arith.constant 0 : i32
      %dma_start3A_59 = arith.constant 0 : i32
      %dma_start3A_60 = tpu.memref_slice %arg5[%add3A, %dma_start3A_58, %dma_start3A_59] : memref<32x640x128xf32, #tpu.memory_space<hbm>> -> memref<1x640x128xf32, #tpu.memory_space<hbm>>
      %dma_start3A_61 = tpu.memref_squeeze %dma_start3A_60 : memref<1x640x128xf32, #tpu.memory_space<hbm>> -> memref<640x128xf32, #tpu.memory_space<hbm>>
      tpu.enqueue_dma source(%arg7 : memref<640x128xf32, #tpu.memory_space<vmem>>) target(%dma_start3A_61 : memref<640x128xf32, #tpu.memory_space<hbm>>) target_semaphore(%run_scoped3A : memref<!tpu.dma_semaphore, #tpu.memory_space<semaphore_mem>>)
      %dma_wait3A = arith.constant 0 : i32
      %dma_wait3A_62 = arith.constant 0 : i32
      %dma_wait3A_63 = tpu.memref_slice %arg5[%add3A, %dma_wait3A, %dma_wait3A_62] : memref<32x640x128xf32, #tpu.memory_space<hbm>> -> memref<1x640x128xf32, #tpu.memory_space<hbm>>
      %dma_wait3A_64 = tpu.memref_squeeze %dma_wait3A_63 : memref<1x640x128xf32, #tpu.memory_space<hbm>> -> memref<640x128xf32, #tpu.memory_space<hbm>>
      %dma_wait3A_65 = arith.constant 0 : i32
      %dma_wait3A_66 = arith.constant 0 : i32
      %dma_wait3A_67 = tpu.memref_slice %arg5[%add3A, %dma_wait3A_65, %dma_wait3A_66] : memref<32x640x128xf32, #tpu.memory_space<hbm>> -> memref<1x640x128xf32, #tpu.memory_space<hbm>>
      %dma_wait3A_68 = tpu.memref_squeeze %dma_wait3A_67 : memref<1x640x128xf32, #tpu.memory_space<hbm>> -> memref<640x128xf32, #tpu.memory_space<hbm>>
      tpu.wait_dma2 semaphore(%run_scoped3A : memref<!tpu.dma_semaphore, #tpu.memory_space<semaphore_mem>>) src(%arg7 : memref<640x128xf32, #tpu.memory_space<vmem>>) dst(%dma_wait3A_68 : memref<640x128xf32, #tpu.memory_space<hbm>>)
      tpu.yield
    }) : () -> ()
    return
  }
}

module attributes {stable_mosaic.version = 14 : i64} {
  func.func @_fin_tc_body(%arg0: memref<32x640x128xf32, #tpu.memory_space<vmem>>, %arg1: memref<512x128xf32, #tpu.memory_space<vmem>>) attributes {dimension_semantics = [], scalar_prefetch = 0 : i64, scratch_operands = 0 : i64, tpu.core_type = #tpu.core_type<tc>} {
    %get3A = arith.constant 0 : index
    %get3A_0 = arith.constant 0 : index
    %get3A_1 = arith.constant 0 : index
    %get3A_2 = vector.load %arg0[%get3A, %get3A_0, %get3A_1] : memref<32x640x128xf32, #tpu.memory_space<vmem>>, vector<32x640x128xf32>
    %reduce_sum3A = arith.constant dense<0.000000e+00> : vector<640x128xf32>
    %reduce_sum3A_3 = vector.multi_reduction <add>, %get3A_2, %reduce_sum3A [0] : vector<32x640x128xf32> to vector<640x128xf32>
    %slice3A = vector.extract_strided_slice %reduce_sum3A_3 {offsets = [0, 0], sizes = [512, 128], strides = [1, 1]} : vector<640x128xf32> to vector<512x128xf32>
    %slice3A_4 = vector.extract_strided_slice %reduce_sum3A_3 {offsets = [512, 0], sizes = [64, 128], strides = [1, 1]} : vector<640x128xf32> to vector<64x128xf32>
    %broadcast_in_dim3A = vector.shape_cast %slice3A_4 : vector<64x128xf32> to vector<64x1x128xf32>
    %broadcast_in_dim3A_5 = vector.shape_cast %broadcast_in_dim3A : vector<64x1x128xf32> to vector<64x1x128xf32>
    %broadcast_in_dim3A_6 = vector.broadcast %broadcast_in_dim3A_5 : vector<64x1x128xf32> to vector<64x8x128xf32>
    %reshape3A = vector.shape_cast %broadcast_in_dim3A_6 : vector<64x8x128xf32> to vector<512x128xf32>
    %iota3A = tpu.iota {dimensions = array<i32: 0>} : vector<512x128xi32>
    %iota3A_7 = tpu.iota {dimensions = array<i32: 1>} : vector<512x128xi32>
    %jit3A = arith.constant 8 : i32
    %eq3A = arith.constant 0 : i32
    %eq3A_8 = arith.cmpi eq, %jit3A, %eq3A : i32
    %jit3A_9 = arith.constant 1 : i32
    %select_n3A = arith.select %eq3A_8, %jit3A_9, %jit3A : i32
    %rem3A = vector.broadcast %select_n3A : i32 to vector<512x128xi32>
    %rem3A_10 = arith.remsi %iota3A, %rem3A : vector<512x128xi32>
    %ne3A = arith.constant 0 : i32
    %ne3A_11 = vector.broadcast %ne3A : i32 to vector<512x128xi32>
    %ne3A_12 = arith.cmpi ne, %rem3A_10, %ne3A_11 : vector<512x128xi32>
    %lt3A = arith.constant 0 : i32
    %lt3A_13 = vector.broadcast %lt3A : i32 to vector<512x128xi32>
    %lt3A_14 = arith.cmpi slt, %rem3A_10, %lt3A_13 : vector<512x128xi32>
    %lt3A_15 = arith.constant 0 : i32
    %lt3A_16 = arith.cmpi slt, %select_n3A, %lt3A_15 : i32
    %ne3A_17 = vector.broadcast %lt3A_16 : i1 to vector<512x128xi1>
    %ne3A_18 = vector.broadcast %ne3A_17 : vector<512x128xi1> to vector<512x128xi1>
    %ne3A_19 = arith.xori %lt3A_14, %ne3A_18 : vector<512x128xi1>
    %and3A = arith.andi %ne3A_19, %ne3A_12 : vector<512x128xi1>
    %add3A = vector.broadcast %select_n3A : i32 to vector<512x128xi32>
    %add3A_20 = arith.addi %rem3A_10, %add3A : vector<512x128xi32>
    %select_n3A_21 = arith.select %and3A, %add3A_20, %rem3A_10 : vector<512x128xi1>, vector<512x128xi32>
    %mul3A = arith.constant 16 : i32
    %mul3A_22 = vector.broadcast %mul3A : i32 to vector<512x128xi32>
    %mul3A_23 = arith.muli %select_n3A_21, %mul3A_22 : vector<512x128xi32>
    %eq3A_24 = arith.cmpi eq, %iota3A_7, %mul3A_23 : vector<512x128xi32>
    %convert_element_type3A = arith.extui %eq3A_24 : vector<512x128xi1> to vector<512x128xi32>
    %convert_element_type3A_25 = arith.sitofp %convert_element_type3A : vector<512x128xi32> to vector<512x128xf32>
    %mul3A_26 = arith.mulf %reshape3A, %convert_element_type3A_25 : vector<512x128xf32>
    %reduce_sum3A_27 = arith.constant dense<0.000000e+00> : vector<512xf32>
    %reduce_sum3A_28 = vector.multi_reduction <add>, %mul3A_26, %reduce_sum3A_27 [1] : vector<512x128xf32> to vector<512xf32>
    %broadcast_in_dim3A_29 = vector.shape_cast %reduce_sum3A_28 : vector<512xf32> to vector<512x1xf32>
    %add3A_30 = arith.constant 1.000000e-16 : f32
    %add3A_31 = vector.broadcast %add3A_30 : f32 to vector<512x1xf32>
    %add3A_32 = arith.addf %broadcast_in_dim3A_29, %add3A_31 : vector<512x1xf32>
    %div3A = vector.broadcast %add3A_32 : vector<512x1xf32> to vector<512x128xf32>
    %div3A_33 = arith.divf %slice3A, %div3A : vector<512x128xf32>
    %swap3A = arith.constant 0 : index
    %swap3A_34 = arith.constant 0 : index
    %swap3A_35 = vector.load %arg1[%swap3A, %swap3A_34] : memref<512x128xf32, #tpu.memory_space<vmem>>, vector<512x128xf32>
    tpu.vector_store %arg1[%swap3A, %swap3A_34], %div3A_33 {strides = array<i32>} : memref<512x128xf32, #tpu.memory_space<vmem>>, vector<512x128xf32>,
    return
  }
}

</mosaic_0001>

<sc_bundles>
// kernel: kernel.4.cloned.1.call-start
scs
__scs_entry_jumppad:
0x0: {  	(pc) =	sbr.rel $0x88, $3  }
0x1: {  	(tag) =	ssettag $0x0;
	lr =	simm.s32 $0x1  }
0x2: {  	[smem:$0x3F9E] =	sst lr;
	_ =	strace $0xD0000000  }
0x3: {  	_ = 	snop  }
0x4: {  	_ = 	snop  }
0x5: {  	_ = 	snop  }
0x6: {  	_ = 	snop  }
0x7: {  	_ = 	snop  }
__scs_overlays_trampoline_lowered:
0x8: {  	[smem:$0x3FAD] =	sst s0  }
0x9: {  	[smem:$0x3FAE] =	sst s1  }
0xa: {  	[smem:$0x3FAF] =	sst s2  }
0xb: {  	[smem:$0x3FB0] =	sst s3  }
0xc: {  	[smem:$0x3FB1] =	sst s4  }
0xd: {  	[smem:$0x3FB2] =	sst s5  }
0xe: {  	[smem:$0x3FB3] =	sst s6  }
0xf: {  	[smem:$0x3FB4] =	sst s7  }
0x10: {  	[smem:$0x3FB5] =	sst s8  }
0x11: {  	[smem:$0x3FB6] =	sst s9;
	s0 =	simm.s32 @!p0 $0x0  }
0x12: {  	s1 =	sld [smem:$0x3F9C];
	s0 =	simm.s32 @p0 $0x1  }
0x13: {  	[smem:$0x3FB7] =	sst s0;
	s0 =	simm.s32 @!p1 $0x0  }
0x14: {  	s2 =	sld [smem:$0x3F9B];
	s0 =	simm.s32 @p1 $0x1  }
0x15: {  	[smem:$0x3FB8] =	sst s0;
	s0 =	simm.s32 @!p2 $0x0  }
0x16: {  	s3 =	sld [smem:$0x3FDB];
	s0 =	simm.s32 @p2 $0x1  }
0x17: {  	s4 =	simm.s32 $0x1BF5;
	[smem:$0x3FBA] =	sst s0  }
0x18: {  	s0 =	sld [smem:$0x3F9D];
	_ =	swait.ge [sflag:s4], $0x0  }
0x19: {  	s7 =	sld [smem:$0x3F9E]  }
0x1a: {  	s8 =	sadd.s32 $0xFFFFE003, lr  }
0x1b: {  	s9 =	sadd.s32 $0xFFFFFEF7, lr;
	s5 =	simm.s32 $0xFFFFFFFF;
	p2 =	slt.u32 s8, $0xFFFFF086  }
0x1c: {  	p1 =	slt.u32 s9, $0xF7A;
	s5 =	simm.s32 @!p2 $0x0  }
0x1d: {  	s5 =	simm.s32 @p1 $0x1;
	p0 =	seq.s32 s7, s2  }
0x1e: {  	s7 =	smul.u32 @!p0 $0xF7A, s2;
	p2 =	seq.s32 @!p0 s5, $0x0  }
0x1f: {  	s9 =	smul.u32 $0xF7A, s1;
	s8 =	simm.s32 @!p0 $0x1BF5;
	p2 =	por !p2, p0  }
0x20: {  	[sflag:s8] =	ssyncset.s32 @!p0 $0xFFFFF086;
	s6 =	sadd.s32 @!p0 s3, s7;
	s7 =	simm.s32 @!p0 $0x108  }
0x21: {  	s3 =	sadd.s32 s3, s9;
	s6 =	sadd.s32 @!p0 $0x88, s6;
	s7 =	simm.s32 @p2 $0x1082  }
0x22: {  	[simem:s7], [sflag:s8] =	dma.local @!p0 [hbm:s6], $0xF7A  }
0x23: {  	s9 =	sor.u32 $0xD0000000, s2;
	s6 =	simm.s32 $0x108;
	_ =	swait.ge @!p0 [sflag:s8], $0x0  }
0x24: {  	s3 =	sadd.s32 $0x88, s3;
	s6 =	simm.s32 @!p1 $0x1082;
	[sflag:s4] =	ssyncset.s32 $0xFFFFF086  }
0x25: {  	[simem:s6], [sflag:s4] =	dma.local [hbm:s3], $0xF7A  }
0x26: {  	[smem:$0x3F9E] =	sst s1;
	(tag) =	ssettag s2;
	_ =	strace s9  }
0x27: {  	s1 =	sld [smem:$0x3FAE]  }
0x28: {  	s2 =	sld [smem:$0x3FAF]  }
0x29: {  	s4 =	sld [smem:$0x3FB1]  }
0x2a: {  	p0 =	seq.s32 s5, $0x0;
	s5 =	sld [smem:$0x3FB2]  }
0x2b: {  	s6 =	sld [smem:$0x3FB3]  }
0x2c: {  	s7 =	sld [smem:$0x3FB4]  }
0x2d: {  	s3 =	simm.s32 $0x108;
	s8 =	sld [smem:$0x3FB5]  }
0x2e: {  	s3 =	simm.s32 @!p0 $0x1082;
	s9 =	sld [smem:$0x3FB6]  }
0x2f: {  	lr =	sadd.s32 s0, s3;
	s0 =	sld [smem:$0x3FAD]  }
0x30: {  	s3 =	sld [smem:$0x3FB0]  }
0x31: {  	[smem:$0x3FB9] =	sst s10  }
0x32: {  	s10 =	sld [smem:$0x3FB7];
	_ =	sdelay $0x3  }
0x33: {  	p0 =	seq.s32 s10, $0x1;
	s10 =	sld [smem:$0x3FB9];
	_ =	sdelay $0x3  }
0x34: {  	[smem:$0x3FB9] =	sst s10  }
0x35: {  	s10 =	sld [smem:$0x3FB8];
	_ =	sdelay $0x3  }
0x36: {  	p1 =	seq.s32 s10, $0x1;
	s10 =	sld [smem:$0x3FB9];
	_ =	sdelay $0x3  }
0x37: {  	[smem:$0x3FB9] =	sst s10  }
0x38: {  	s10 =	sld [smem:$0x3FBA]  }
0x39: {  	_ = 	snop;
	(pc) =	sbr.ind lr, $3  }
0x3a: {  	_ = 	snop  }
0x3b: {  	_ = 	snop  }
0x3c: {  	p2 =	seq.s32 s10, $0x1;
	s10 =	sld [smem:$0x3FB9]  }
0x3d: {  	_ =	shalt  }
0x3e: {  	_ =	shalt  }
0x3f: {  	_ =	shalt  }
0x40: {  	_ =	shalt  }
0x41: {  	_ =	shalt  }
0x42: {  	_ =	shalt  }
0x43: {  	_ =	shalt  }
0x44: {  	_ =	shalt  }
0x45: {  	_ =	shalt  }
0x46: {  	_ =	shalt  }
0x47: {  	_ =	shalt  }
0x48: {  	_ =	shalt  }
0x49: {  	_ =	shalt  }
0x4a: {  	_ =	shalt  }
0x4b: {  	_ =	shalt  }
0x4c: {  	_ =	shalt  }
0x4d: {  	_ =	shalt  }
0x4e: {  	_ =	shalt  }
0x4f: {  	_ =	shalt  }
0x50: {  	_ =	shalt  }
0x51: {  	_ =	shalt  }
0x52: {  	_ =	shalt  }
0x53: {  	_ =	shalt  }
0x54: {  	_ =	shalt  }
0x55: {  	_ =	shalt  }
0x56: {  	_ =	shalt  }
0x57: {  	_ =	shalt  }
0x58: {  	_ =	shalt  }
0x59: {  	_ =	shalt  }
0x5a: {  	_ =	shalt  }
0x5b: {  	_ =	shalt  }
0x5c: {  	_ =	shalt  }
0x5d: {  	_ =	shalt  }
0x5e: {  	_ =	shalt  }
0x5f: {  	_ =	shalt  }
0x60: {  	_ =	shalt  }
0x61: {  	_ =	shalt  }
0x62: {  	_ =	shalt  }
0x63: {  	_ =	shalt  }
0x64: {  	_ =	shalt  }
0x65: {  	_ =	shalt  }
0x66: {  	_ =	shalt  }
0x67: {  	_ =	shalt  }
0x68: {  	_ =	shalt  }
0x69: {  	_ =	shalt  }
0x6a: {  	_ =	shalt  }
0x6b: {  	_ =	shalt  }
0x6c: {  	_ =	shalt  }
0x6d: {  	_ =	shalt  }
0x6e: {  	_ =	shalt  }
0x6f: {  	_ =	shalt  }
0x70: {  	_ =	shalt  }
0x71: {  	_ =	shalt  }
0x72: {  	_ =	shalt  }
0x73: {  	_ =	shalt  }
0x74: {  	_ =	shalt  }
0x75: {  	_ =	shalt  }
0x76: {  	_ =	shalt  }
0x77: {  	_ =	shalt  }
0x78: {  	_ =	shalt  }
0x79: {  	_ =	shalt  }
0x7a: {  	_ =	shalt  }
0x7b: {  	_ =	shalt  }
0x7c: {  	_ =	shalt  }
0x7d: {  	_ =	shalt  }
0x7e: {  	_ =	shalt  }
0x7f: {  	_ =	shalt  }
0x80: {  	_ =	shalt  }
0x81: {  	_ =	shalt  }
0x82: {  	_ =	shalt  }
0x83: {  	_ =	shalt  }
0x84: {  	_ =	shalt  }
0x85: {  	_ =	shalt  }
0x86: {  	_ =	shalt  }
0x87: {  	_ =	shalt  }
.Lfunc_end0:
.L_simem_size_0:
called_computation_lowered:
.L_overlay_start_0:
0x88: {  	s2 =	sld [smem:$0x3FD9]  }
0x89: {  	s3 =	sld [smem:$0x3FFE];
	_ =	sdelay $0x1  }
0x8a: {  	s1 =	srdreg.scid  }
0x8b: {  	s0 =	sand.u32 $0x1, s1  }
0x8c: {  	s17 =	sshll.u32 s0, $0xA;
	s2 =	sadd.s32 s3, s2  }
0x8d: {  	s2 =	sadd.s32 s2, s17  }
0x8e: {  	[smem:$0x3FC5] =	sst s2  }
0x8f: {  	_ = 	snop  }
0x90: {  	s2 =	sld [smem:$0x3FC9]  }
0x91: {  	s18 =	sld [smem:$0x3FC8]  }
0x92: {  	s4 =	sld [smem:$0x3FC7];
	(tm) =	ssettm $0x1  }
0x93: {  	s5 =	sld [smem:$0x3FFB];
	_ =	sdelay $0x3  }
0x94: {  	_ =	strace s5  }
0x95: {  	s5 =	sld [smem:$0x3FFC];
	_ =	sdelay $0x3  }
0x96: {  	_ =	strace s5  }
0x97: {  	s5 =	sld [smem:$0x3FFD];
	_ =	sdelay $0x3  }
0x98: {  	_ =	strace s5  }
0x99: {  	_ =	strace $0x8FFFFFFF  }
0x9a: {  	s19 =	sld [smem:$0x3FDB];
	_ =	sdelay $0x1  }
0x9b: {  	s6 =	simm.s32 $_scs_section_size  }
0x9c: {  	s7 =	simm.s32 $_size__tile_overlayer_lowered;
	s8 =	simm.s32 $_tile_overlayer_lowered  }
0x9d: {  	s22 =	simm.s32 $0x1BFF;
	s21 =	sshll.u32 s8, $0x1;
	s5 =	sadd.s32 s6, s19  }
0x9e: {  	s9 =	simm.s32 $0x0;
	s20 =	sshll.u32 s7, $0x1;
	s7 =	sadd.s32 s21, s5  }
0x9f: {  	[timem:s9], [sflag:s22] =	dma.local [hbm:s7], s20  }
0xa0: {  	_ =	swait.ge [sflag:s22], s20  }
0xa1: {  	s6 =	ssub.s32 $0x0, s20;
	[sflag:s22] =	ssyncset.done $0x0  }
0xa2: {  	[sflag:s22] =	ssyncadd.s32 s6;
	_ =	sdelay $0x1  }
0xa3: {  	s23 =	simm.s32 $0x1B8B  }
0xa4: {  	_ =	swait.ge [sflag:s23], $0x1  }
0xa5: {  	[sflag:s23] =	ssyncset.done $0x0  }
0xa6: {  	s25 =	simm.s32 $0x1B8E;
	s24 =	sld [smem:$0x3FFE];
	[sflag:s23] =	ssyncadd.s32 $0xFFFFFFFF  }
0xa7: {  	s26 =	simm.s32 $execute0_lowered;
	[smem:$0x3FD2] =	sst s25  }
0xa8: {  	s7 =	sshll.u32 s26, $0x1;
	_ =	strace $0x80000046;
	[dreg:$0x1] =	wrdreg $0xFFFFFFFF  }
0xa9: {  	s28 =	simm.s32 $_size_execute0_lowered;
	s5 =	sadd.s32 s5, s7;
	[dreg:$0x0] =	wrdreg $0x0  }
0xaa: {  	s7 =	sshll.u32 s28, $0x1;
	[dreg:$0x2] =	wrdreg s5  }
0xab: {  	[dreg:$0x3] =	wrdreg s7  }
0xac: {  	[dreg:$0x4] =	wrdreg $0xC0  }
0xad: {  	_ =	task [dreg:s9], $0x5FFFF  }
0xae: {  	[dreg:$0x1] =	wrdreg $0xFFFFFFFF  }
0xaf: {  	[dreg:$0x0] =	wrdreg $0x60  }
0xb0: {  	[dreg:$0x2] =	wrdreg s2  }
0xb1: {  	[dreg:$0x3] =	wrdreg s18  }
0xb2: {  	[dreg:$0x4] =	wrdreg s4  }
0xb3: {  	[dreg:$0x5] =	wrdreg s24  }
0xb4: {  	[dreg:$0x6] =	wrdreg $0x9  }
0xb5: {  	_ =	task.clear_ibuf [dreg:s9], $0x7FFFF;
	_ =	strace $0x90000046  }
0xb6: {  	s29 =	simm.s32 $0x9;
	_ =	strace $0x80000048  }
0xb7: {  	_ =	swait.ge [sflag:s29], $0x1  }
0xb8: {  	[sflag:s29] =	ssyncadd.s32 $0xFFFFFFFF  }
0xb9: {  	_ =	strace $0x90000048  }
0xba: {  	_ =	sfence  }
0xbb: {  	s30 =	sld [smem:$0x0];
	_ =	sdelay $0x2  }
0xbc: {  	s31 =	sshll.u32 s1, $0xD;
	s1 =	sshrl.u32 s1, $0x2  }
0xbd: {  	s3 =	sand.u32 $0x4000, s31;
	s1 =	sadd.s32 s1, s30  }
0xbe: {  	s0 =	sor.u32 s3, s0;
	s1 =	sshll.u32 s1, $0x11  }
0xbf: {  	s0 =	sor.u32 s1, s0  }
0xc0: {  	s0 =	sadd.s32 $0x8F2B, s0  }
0xc1: {  	[sflag:s0] =	ssyncadd.remote.s32 $0x1  }
0xc2: {  	_ =	sfence.sel $0xFFFF  }
0xc3: {  	[dreg:$0x0] =	wrdreg $0xFFFFFFFF;
	(pc) =	sbr.abs _section_cstart, $3  }
0xc4: {  	[dreg:$0x1] =	wrdreg $0xFFFFFFFF  }
0xc5: {  	_ =	task.clear_ibuf [dreg:s9], $0x2FFFF;
	_ =	strace $0x9FFFFFFF  }
0xc6: {  	(tm) =	ssettm $0x7FFFFFFF  }
0xc7: {  	_ =	shalt  }
tec
execute0_lowered:
.L_overlay_start_1:
0x0: {  	(tag) =	ssettag $0x1  }
0x1: {  	s1 =	rddreg [dreg:$0x0]  }
0x2: {  	s2 =	rddreg [dreg:$0x1]  }
0x3: {  	s3 =	srdreg.scid;
	s4 =	rddreg [dreg:$0x2]  }
0x4: {  	s0 =	stileid.u32;
	s7 =	rddreg [dreg:$0x3]  }
0x5: {  	s5 =	simm.s32 $0x0;
	s11 =	simm.s32 $0x18000;
	s12 =	simm.s32 $0x1  }
0x6: {  	s13 =	simm.s32 $0x18080;
	s6 =	sand.u32 $0x1, s3;
	s3 =	rddreg [dreg:$0x4]  }
0x7: {  	s14 =	simm.s32 $0x4000;
	s30 =	sshll.u32 s0, $0x1;
	[smem:$0x7FF] =	sst s5  }
.Ltmp0:
0x8: {  	s15 =	sor.u32 s6, s30;
	s6 =	ssub.s32 $0x2, s6;
	(pc) =	sbr.rel .LBB2_1-.Ltmp0, $4  }
0x9: {  	v0 =	vlaneseq.u32;
	_ =	strace $0x80000047;
	s8 =	smul.u32 $0x2800, s15;
	s31 =	sshrl.u32 s6, $0x1  }
0xa: {  	v1 =	vimm.f32 $0.0e+00;
	v2 =	vor.u32 $0x10, v0;
	v3 =	vor.u32 $0x20, v0;
	p0 =	sne.s32 s15, $0xD;
	s10 =	ssub.s32 s6, s31;
	s6 =	sshll.u32 s15, $0x7  }
0xb: {  	v4 =	vor.u32 $0x30, v0;
	v5 =	vor.u32 $0x40, v0;
	v6 =	vor.u32 $0x50, v0;
	s15 =	simm.s32 $0x0;
	s9 =	sadd.s32 s8, s7;
	s7 =	sadd.s32 $0x186800, s1  }
0xc: {  	v7 =	vor.u32 $0x60, v0;
	v8 =	vor.u32 $0x70, v0;
	v9 =	vor.u32 $0x10000, v0;
	s8 =	sadd.s32 $0x30D0, s2;
	s10 =	smax.u32 s10, $0x1;
	s9 =	sadd.s32 $0x600, s9  }
.LBB2_13:
0xd: {  	s15 =	sadd.s32 $0x1, s15  }
0xe: {  	p1 =	sne.s32 s15, s10  }
.Ltmp1:
0xf: {  	_ = 	snop;
	(pc) =	sbr.rel @!p1 .LBB2_14-.Ltmp1, $4  }
0x10: {  	[hbm4b:s9+s5] =	stream.linear.scatter [tilespmem:s14], [sflag:$0x1], $0x14000, $0x38;
	[tilespmem:$0x18100] =	vst v63  }
0x11: {  	_ =	swait.ge [sflag:s12], $0x14000  }
0x12: {  	[sflag:s12] =	ssyncset.done $0x0  }
0x13: {  	[sflag:s12] =	ssyncadd.s32 $0xFFFEC000  }
.LBB2_1:
0x14: {  	[tilespmem:s11], [sflag:$0x1] =	stream.linear.gather [hbm4b:s4+s5], $0x80, $0x38;
	[tilespmem:$0x18100] =	vst v63  }
0x15: {  	_ =	swait.ge [sflag:s12], $0x80  }
0x16: {  	[sflag:s12] =	ssyncset.done $0x0  }
0x17: {  	[sflag:s12] =	ssyncadd.s32 $0xFFFFFF80  }
0x18: {  	v17 =	vld [tilespmem:$0x18000]  }
0x19: {  	v16 =	vld [tilespmem:$0x18010]  }
0x1a: {  	v15 =	vld [tilespmem:$0x18020]  }
0x1b: {  	v14 =	vld [tilespmem:$0x18030]  }
0x1c: {  	v13 =	vld [tilespmem:$0x18040]  }
0x1d: {  	v12 =	vld [tilespmem:$0x18050]  }
0x1e: {  	v11 =	vld [tilespmem:$0x18060]  }
0x1f: {  	s16 =	simm.s32 $0x0;
	s17 =	simm.s32 $0x200;
	v10 =	vld [tilespmem:$0x18070]  }
.LBB2_2:
0x20: {  	p1 =	sne.s32 s17, $0x4FE00;
	[tilespmem:s16+$0x4070] =	vst v1  }
0x21: {  	[tilespmem:s16+$0x4000] =	vst v1  }
0x22: {  	[tilespmem:s16+$0x4010] =	vst v1  }
.Ltmp2:
0x23: {  	[tilespmem:s16+$0x4020] =	vst v1;
	(pc) =	sbr.rel @p1 .LBB2_2-.Ltmp2, $4  }
0x24: {  	[tilespmem:s16+$0x4030] =	vst v1  }
0x25: {  	[tilespmem:s16+$0x4040] =	vst v1  }
0x26: {  	[tilespmem:s16+$0x4050] =	vst v1  }
0x27: {  	[tilespmem:s16+$0x4060] =	vst v1;
	s16 =	sshra.s32 s17, $0x2;
	s17 =	sadd.s32 $0x200, s17  }
0x28: {  	[tilespmem:s16+$0x4070] =	vst v1  }
0x29: {  	[tilespmem:s16+$0x4000] =	vst v1  }
0x2a: {  	[tilespmem:s16+$0x4010] =	vst v1  }
.Ltmp3:
0x2b: {  	[tilespmem:s16+$0x4020] =	vst v1;
	(pc) =	sbr.rel .LBB2_4-.Ltmp3, $4  }
0x2c: {  	[tilespmem:s16+$0x4030] =	vst v1  }
0x2d: {  	[tilespmem:s16+$0x4040] =	vst v1  }
0x2e: {  	[tilespmem:s16+$0x4050] =	vst v1  }
0x2f: {  	[tilespmem:s16+$0x4060] =	vst v1;
	s16 =	simm.s32 $0x0  }
.LBB2_8:
0x30: {  	s16 =	sadd.s32 $0x1, s16  }
0x31: {  	p1 =	sne.s32 s16, $0x19  }
.Ltmp4:
0x32: {  	_ = 	snop;
	(pc) =	sbr.rel @!p1 .LBB2_9-.Ltmp4, $1  }
0x33: {  	_ =	sdelay $0x3  }
.LBB2_4:
0x34: {  	s17 =	sshll.u32 s16, $0xC  }
0x35: {  	s18 =	sor.u32 s6, s17  }
0x36: {  	p1 =	sgt.u32 s18, $0x18620  }
.Ltmp5:
0x37: {  	_ = 	snop;
	(pc) =	sbr.rel @p1 .LBB2_8-.Ltmp5, $1  }
0x38: {  	_ =	sdelay $0x3  }
0x39: {  	s17 =	sshll.u32 s18, $0x4  }
0x3a: {  	s21 =	simm.s32 $0x0;
	s19 =	sadd.s32 s1, s17  }
0x3b: {  	[tilespmem:s21], [sflag:$0x1] =	stream.linear.gather [hbm4b:s19+s21], $0x4000, $0x38;
	[tilespmem:$0x18100] =	vst v63  }
0x3c: {  	_ =	swait.ge [sflag:s12], $0x4000  }
0x3d: {  	s22 =	sshrl.u32 s18, $0x3;
	[sflag:s12] =	ssyncset.done $0x0  }
0x3e: {  	s18 =	sadd.s32 s2, s22;
	[sflag:s12] =	ssyncadd.s32 $0xFFFFC000  }
0x3f: {  	[tilespmem:s13], [sflag:$0x1] =	stream.linear.gather [hbm4b:s18+s21], $0x80, $0x38;
	[tilespmem:$0x18100] =	vst v63  }
0x40: {  	_ =	swait.ge [sflag:s12], $0x80  }
0x41: {  	[sflag:s12] =	ssyncset.done $0x0  }
0x42: {  	s23 =	simm.s32 $0x100;
	[sflag:s12] =	ssyncadd.s32 $0xFFFFFF80  }
0x43: {  	v19 =	vld [tilespmem:s23+$0x80]  }
0x44: {  	v18 =	vld [tilespmem:s23+$0x90];
	_ =	sdelay $0x1  }
0x45: {  	v20 =	vld [tilespmem:s23+$0xA0];
	_ =	sdelay $0x1  }
0x46: {  	v21 =	vld [tilespmem:s23+$0xB0]  }
0x47: {  	v22 =	vmul.f32 v19, v17;
	v18 =	vmul.f32 v18, v16  }
0x48: {  	v23 =	vld [tilespmem:s23+$0xC0]  }
0x49: {  	v20 =	vmul.f32 v20, v15;
	v18 =	vadd.f32 v18, v22  }
0x4a: {  	v22 =	vld [tilespmem:s23+$0xD0]  }
0x4b: {  	v18 =	vadd.f32 v20, v18;
	v20 =	vmul.f32 v21, v14  }
0x4c: {  	v21 =	vld [tilespmem:s23+$0xE0]  }
0x4d: {  	v18 =	vadd.f32 v20, v18;
	v20 =	vmul.f32 v23, v13  }
0x4e: {  	v23 =	vld [tilespmem:s23+$0xF0]  }
0x4f: {  	v18 =	vadd.f32 v20, v18;
	v20 =	vmul.f32 v22, v12  }
0x50: {  	v24 =	vld [tilespmem:s23+$0xFFFFFF00]  }
0x51: {  	v25 =	vld [tilespmem:s23+$0xFFFFFF90];
	v21 =	vmul.f32 v21, v11;
	v20 =	vadd.f32 v20, v18  }
0x52: {  	v26 =	vld [tilespmem:s23+$0xFFFFFF20]  }
0x53: {  	v27 =	vld [tilespmem:s23+$0x20];
	v23 =	vmul.f32 v23, v10;
	v21 =	vadd.f32 v21, v20  }
0x54: {  	v28 =	vld [tilespmem:s23+$0xFFFFFF30]  }
0x55: {  	v29 =	vld [tilespmem:s23+$0xFFFFFFB0];
	v21 =	vadd.f32 v23, v21  }
0x56: {  	v22 =	vld [tilespmem:s23+$0xFFFFFF10]  }
0x57: {  	v18 =	vld [tilespmem:s23+$0xFFFFFF80];
	(xrf2) =	vadd.scan.msk.f32 $0xffff, v21  }
0x58: {  	v20 =	vld [tilespmem:s23+$0x0]  }
0x59: {  	v23 =	vld [tilespmem:s23+$0x10]  }
0x5a: {  	v21 =	vld [tilespmem:s23+$0xFFFFFFA0]  }
0x5b: {  	v31 =	vld [tilespmem:s23+$0x30];
	v30 =	vmul.f32 v24, v17;
	v22 =	vmul.f32 v22, v16  }
0x5c: {  	s24 =	simm.s32 $0x3;
	v33 =	vld [tilespmem:s23+$0xFFFFFF40];
	v25 =	vmul.f32 v25, v16;
	v32 =	vmul.f32 v18, v17  }
0x5d: {  	v37 =	vmov s24;
	v58 =	vld [tilespmem:s23+$0xFFFFFF50];
	v26 =	vmul.f32 v26, v15;
	v22 =	vadd.f32 v22, v30  }
0x5e: {  	v36 =	vld [tilespmem:s23+$0xFFFFFF60];
	v34 =	vmul.f32 v20, v17;
	v25 =	vadd.f32 v25, v32;
	v23 =	vmul.f32 v23, v16  }
0x5f: {  	v30 =	vld [tilespmem:s23+$0x40];
	v22 =	vadd.f32 v26, v22;
	v26 =	vmul.f32 v28, v14;
	v21 =	vmul.f32 v21, v15  }
0x60: {  	v35 =	vld [tilespmem:s23+$0xFFFFFFC0];
	v27 =	vmul.f32 v27, v15;
	v29 =	vmul.f32 v29, v14;
	v23 =	vadd.f32 v23, v34  }
0x61: {  	v28 =	vld [tilespmem:s23+$0xFFFFFFD0];
	v22 =	vadd.f32 v26, v22;
	v21 =	vadd.f32 v21, v25;
	v25 =	vmul.f32 v33, v13;
	v59, _, _ =	vpop (xrf2)  }
0x62: {  	v31 =	vmul.f32 v31, v14;
	v23 =	vadd.f32 v27, v23;
	v27 =	vld [tilespmem:s23+$0xFFFFFF70];
	v34 =	vmul.f32 $1.442695020e+00, v59  }
0x63: {  	v62 =	vmul.f32 v36, v11;
	v32 =	vmul.f32 v58, v12;
	v26 =	vld [tilespmem:s23+$0x50];
	v22 =	vadd.f32 v25, v22  }
0x64: {  	v30 =	vmul.f32 v30, v13;
	v25 =	vld [tilespmem:s23+$0xFFFFFFE0];
	v60 =	vbroadcast v34, $0xF  }
0x65: {  	v61 =	vld [tilespmem:s23+$0xFFFFFFF0];
	v21 =	vadd.f32 v29, v21;
	v29 =	vmul.f32 v35, v13;
	v32 =	vadd.f32 v32, v22  }
0x66: {  	v28 =	vmul.f32 v28, v12;
	v23 =	vadd.f32 v31, v23;
	v22 =	vld.idx.msk [tilespmem:v37+s13+$0x0], $0xffff;
	(erf) = vpow2.f32 v60  }
0x67: {  	v21 =	vadd.f32 v29, v21;
	v29 =	vld [tilespmem:s23+$0x60];
	v27 =	vmul.f32 v27, v10;
	v31 =	vadd.f32 v62, v32  }
0x68: {  	v26 =	vmul.f32 v26, v12;
	v23 =	vadd.f32 v30, v23  }
0x69: {  	v21 =	vadd.f32 v28, v21;
	v28 =	vld [tilespmem:s23+$0x70];
	v25 =	vmul.f32 v25, v11;
	v27 =	vadd.f32 v27, v31;
	_ =	sdelay $0x1  }
0x6a: {  	v23 =	vadd.f32 v26, v23;
	v21 =	vadd.f32 v25, v21;
	(xrf2) =	vadd.scan.msk.f32 $0xffff, v27  }
0x6b: {  	v25 =	vmul.f32 v61, v10;
	v30 =	vshll.u32 v22, $0x7;
	v26 =	vmul.f32 v29, v11  }
0x6c: {  	v27 =	vor.u32 v0, v30  }
0x6d: {  	v21 =	vadd.f32 v25, v21;
	v23 =	vadd.f32 v26, v23;
	v25 =	vmul.f32 v28, v10  }
0x6e: {  	v28 =	vpop (erf)  }
0x6f: {  	(xrf2) =	vadd.scan.msk.f32 $0xffff, v21;
	v21 =	vadd.f32 v25, v23;
	v19 =	vmul.f32 v28, v19;
	_ =	sdelay $0x1  }
0x70: {  	(xrf2) =	vadd.scan.msk.f32 $0xffff, v21;
	[tilespmem:v27+s14+$0x0] =	vst.idx.add.f32.msk $0xffff, v19  }
0x71: {  	v19 =	vld [tilespmem:s23+$0x90];
	_ =	sdelay $0x1  }
0x72: {  	v23 =	vor.u32 v2, v30;
	v21 =	vmov s21;
	v25, _, _ =	vpop (xrf2)  }
0x73: {  	v21 =	vand.u32 $0xFFFFFFFC, v21;
	v25 =	vmul.f32 $1.442695020e+00, v25  }
0x74: {  	s25 =	simm.s32 $0x1;
	v21 =	vbroadcast v21, $0x0  }
0x75: {  	s26 =	simm.s32 $0x2;
	v26 =	vmov s25;
	v25 =	vbroadcast v25, $0xF;
	v19 =	vmul.f32 v28, v19  }
0x76: {  	v26 =	vand.u32 $0xFFFFFFFD, v26;
	v27 =	vmov s26  }
0x77: {  	v26 =	vbroadcast v26, $0x0;
	v27 =	vand.u32 $0xFFFFFFFE, v27;
	[tilespmem:v23+s14+$0x0] =	vst.idx.add.f32.msk $0xffff, v19  }
0x78: {  	v29, _, _ =	vpop (xrf2);
	v19 =	vbroadcast v27, $0x0;
	v27 =	vld [tilespmem:s23+$0xA0]  }
0x79: {  	(erf) = vpow2.f32 v25;
	v25, _, _ =	vpop (xrf2);
	v23 =	vmul.f32 $1.442695020e+00, v29  }
0x7a: {  	v21 =	vld.idx.msk [tilespmem:v21+s13+$0x0], $0xffff;
	v29 =	vor.u32 v3, v30;
	v25 =	vmul.f32 $1.442695020e+00, v25  }
0x7b: {  	v23 =	vbroadcast v23, $0xF  }
0x7c: {  	v25 =	vbroadcast v25, $0xF  }
0x7d: {  	v31 =	vld.idx.msk [tilespmem:v26+s13+$0x0], $0xffff;
	(erf) = vpow2.f32 v23;
	v26 =	vmul.f32 v28, v27  }
0x7e: {  	v19 =	vld.idx.msk [tilespmem:v19+s13+$0x0], $0xffff  }
0x7f: {  	v23 =	vshll.u32 v21, $0x7;
	(erf) = vpow2.f32 v25;
	[tilespmem:v29+s14+$0x0] =	vst.idx.add.f32.msk $0xffff, v26  }
0x80: {  	v25 =	vor.u32 v0, v23;
	v27 =	vld [tilespmem:s23+$0xB0];
	_ =	sdelay $0x1  }
0x81: {  	v63 =	vor.u32 v4, v30;
	v26 =	vpop (erf)  }
0x82: {  	s17 =	simm.s32 $0x300;
	v33 =	vshll.u32 v31, $0x7;
	v24 =	vmul.f32 v26, v24  }
0x83: {  	v50 =	vld [tilespmem:s17+$0xA0];
	v40 =	vor.u32 v0, v33  }
0x84: {  	v29 =	vshll.u32 v19, $0x7;
	[tilespmem:v25+s14+$0x0] =	vst.idx.add.f32.msk $0xffff, v24;
	v24 =	vmul.f32 v28, v27  }
0x85: {  	v32 =	vpop (erf);
	v25 =	vld [tilespmem:s23+$0xFFFFFF10];
	v27 =	vor.u32 v0, v29  }
0x86: {  	v41 =	vmul.f32 v32, v18;
	[tilespmem:v63+s14+$0x0] =	vst.idx.add.f32.msk $0xffff, v24  }
0x87: {  	v18 =	vpop (erf);
	v24 =	vor.u32 v2, v23;
	v34 =	vld [tilespmem:s23+$0xC0]  }
0x88: {  	v20 =	vmul.f32 v18, v20;
	[tilespmem:v40+s14+$0x0] =	vst.idx.add.f32.msk $0xffff, v41  }
0x89: {  	v42 =	vor.u32 v5, v30;
	v35 =	vld [tilespmem:s23+$0xFFFFFF90]  }
0x8a: {  	v25 =	vmul.f32 v26, v25;
	[tilespmem:v27+s14+$0x0] =	vst.idx.add.f32.msk $0xffff, v20  }
0x8b: {  	v20 =	vor.u32 v2, v33;
	v27 =	vld [tilespmem:s23+$0x10]  }
0x8c: {  	[tilespmem:v24+s14+$0x0] =	vst.idx.add.f32.msk $0xffff, v25;
	v24 =	vmul.f32 v34, v28  }
0x8d: {  	v25 =	vor.u32 v2, v29;
	v43 =	vld [tilespmem:s23+$0xFFFFFF20]  }
0x8e: {  	v35 =	vmul.f32 v32, v35;
	[tilespmem:v42+s14+$0x0] =	vst.idx.add.f32.msk $0xffff, v24  }
0x8f: {  	v24 =	vor.u32 v3, v23;
	v36 =	vld [tilespmem:s23+$0xD0]  }
0x90: {  	[tilespmem:v20+s14+$0x0] =	vst.idx.add.f32.msk $0xffff, v35;
	v20 =	vmul.f32 v18, v27  }
0x91: {  	v44 =	vor.u32 v6, v30;
	v27 =	vld [tilespmem:s23+$0xFFFFFFA0]  }
0x92: {  	[tilespmem:v25+s14+$0x0] =	vst.idx.add.f32.msk $0xffff, v20;
	v20 =	vmul.f32 v26, v43  }
0x93: {  	v25 =	vor.u32 v3, v33;
	v45 =	vld [tilespmem:s23+$0x20]  }
0x94: {  	[tilespmem:v24+s14+$0x0] =	vst.idx.add.f32.msk $0xffff, v20;
	v20 =	vmul.f32 v36, v28  }
0x95: {  	v24 =	vor.u32 v3, v29;
	v46 =	vld [tilespmem:s23+$0xFFFFFF30]  }
0x96: {  	v27 =	vmul.f32 v32, v27;
	[tilespmem:v44+s14+$0x0] =	vst.idx.add.f32.msk $0xffff, v20  }
0x97: {  	v20 =	vor.u32 v4, v23;
	v35 =	vld [tilespmem:s23+$0xE0]  }
0x98: {  	[tilespmem:v25+s14+$0x0] =	vst.idx.add.f32.msk $0xffff, v27;
	v25 =	vmul.f32 v18, v45  }
0x99: {  	v47 =	vor.u32 v7, v30;
	v27 =	vld [tilespmem:s23+$0xFFFFFFB0]  }
0x9a: {  	[tilespmem:v24+s14+$0x0] =	vst.idx.add.f32.msk $0xffff, v25;
	v24 =	vmul.f32 v26, v46  }
0x9b: {  	v51 =	vld [tilespmem:s17+$0xB0];
	v48 =	vor.u32 v4, v33  }
0x9c: {  	[tilespmem:v20+s14+$0x0] =	vst.idx.add.f32.msk $0xffff, v24;
	v20 =	vmul.f32 v35, v28  }
0x9d: {  	v38 =	vld [tilespmem:s17+$0xD0]  }
0x9e: {  	v27 =	vmul.f32 v32, v27;
	[tilespmem:v47+s14+$0x0] =	vst.idx.add.f32.msk $0xffff, v20  }
0x9f: {  	v49 =	vld [tilespmem:s23+$0xF0]  }
0xa0: {  	[tilespmem:v48+s14+$0x0] =	vst.idx.add.f32.msk $0xffff, v27  }
0xa1: {  	v22 =	vshll.u32 v22, $0x4;
	v20 =	vld [tilespmem:s17+$0x80];
	v27 =	vor.u32 v8, v30  }
0xa2: {  	v22 =	vadd.s32 v9, v22;
	v30 =	vld [tilespmem:s17+$0x90]  }
0xa3: {  	v52 =	vld [tilespmem:s17+$0xE0]  }
0xa4: {  	v39 =	vld [tilespmem:s17+$0xFFFFFF90];
	v35 =	vmul.f32 v49, v28  }
0xa5: {  	v53 =	vld [tilespmem:s17+$0x10]  }
0xa6: {  	[tilespmem:v27+s14+$0x0] =	vst.idx.add.f32.msk $0xffff, v35  }
0xa7: {  	v30 =	vmul.f32 v30, v16;
	v27 =	vmul.f32 v20, v17;
	[tilespmem:v22+s14+$0x0] =	vst.idx.add.f32.msk $0xffff, v28  }
0xa8: {  	v22 =	vld [tilespmem:s17+$0xC0]  }
0xa9: {  	v54 =	vld [tilespmem:s17+$0xFFFFFFA0];
	v27 =	vadd.f32 v30, v27;
	v30 =	vmul.f32 v50, v15  }
0xaa: {  	v56 =	vld [tilespmem:s17+$0xFFFFFFC0]  }
0xab: {  	v57 =	vld [tilespmem:s17+$0x40];
	v27 =	vadd.f32 v30, v27;
	v30 =	vmul.f32 v51, v14  }
0xac: {  	v40 =	vld [tilespmem:s17+$0xFFFFFF20]  }
0xad: {  	v41 =	vld [tilespmem:s17+$0x20];
	v27 =	vadd.f32 v30, v27;
	v22 =	vmul.f32 v22, v13  }
0xae: {  	v30 =	vld [tilespmem:s17+$0xF0]  }
0xaf: {  	v34 =	vld [tilespmem:s17+$0xFFFFFF00];
	v22 =	vadd.f32 v22, v27;
	v27 =	vmul.f32 v38, v12  }
0xb0: {  	v43 =	vld [tilespmem:s17+$0xFFFFFFB0]  }
0xb1: {  	v36 =	vld [tilespmem:s17+$0xFFFFFF80];
	v22 =	vadd.f32 v27, v22;
	v27 =	vmul.f32 v52, v11  }
0xb2: {  	v44 =	vld [tilespmem:s17+$0x30]  }
0xb3: {  	v28 =	vld [tilespmem:s17+$0xFFFFFF10];
	v22 =	vadd.f32 v27, v22;
	v27 =	vmul.f32 v30, v10  }
0xb4: {  	v25 =	vld [tilespmem:s23+$0x30]  }
0xb5: {  	v39 =	vmul.f32 v39, v16;
	v37 =	vmul.f32 v54, v15;
	v35 =	vld [tilespmem:s17+$0x0];
	v22 =	vadd.f32 v27, v22  }
0xb6: {  	s28 =	simm.s32 $0x4;
	v55 =	vmul.f32 v40, v15;
	v41 =	vmul.f32 v41, v15;
	v24 =	vld [tilespmem:s23+$0xFFFFFF40]  }
0xb7: {  	v60 =	vmov s28;
	v40 =	vmul.f32 v56, v13;
	v42 =	vmul.f32 v34, v17;
	v30 =	vld [tilespmem:s17+$0xFFFFFF30];
	(xrf2) =	vadd.scan.msk.f32 $0xffff, v22  }
0xb8: {  	v58 =	vld [tilespmem:s17+$0xFFFFFF50];
	v61 =	vand.u32 $0xFFFFFFFC, v60;
	v43 =	vmul.f32 v43, v14;
	v27 =	vmul.f32 v28, v16  }
0xb9: {  	v46 =	vld [tilespmem:s17+$0xFFFFFF40];
	v62 =	vmul.f32 v44, v14;
	v47 =	vor.u32 v4, v29;
	v28 =	vmul.f32 v36, v17  }
0xba: {  	v59 =	vld [tilespmem:s17+$0xFFFFFFD0];
	v45 =	vmul.f32 v35, v17;
	v22 =	vadd.f32 v27, v42;
	v27 =	vmul.f32 v53, v16  }
0xbb: {  	v63 =	vld [tilespmem:s17+$0xFFFFFF60];
	v25 =	vmul.f32 v18, v25;
	v24 =	vmul.f32 v24, v26;
	v28 =	vadd.f32 v39, v28  }
0xbc: {  	v52 =	vld [tilespmem:s17+$0xFFFFFFE0];
	v30 =	vmul.f32 v30, v14;
	v27 =	vadd.f32 v27, v45;
	v22 =	vadd.f32 v55, v22  }
0xbd: {  	v54 =	vld [tilespmem:s17+$0xFFFFFF70];
	v38 =	vmul.f32 v58, v12;
	v42 =	vor.u32 v5, v23;
	v28 =	vadd.f32 v37, v28  }
0xbe: {  	s29 =	simm.s32 $0x7;
	v45 =	vld [tilespmem:s17+$0x50];
	v27 =	vadd.f32 v41, v27;
	v22 =	vadd.f32 v30, v22;
	v30 =	vmul.f32 v46, v13  }
0xbf: {  	[tilespmem:v47+s14+$0x0] =	vst.idx.add.f32.msk $0xffff, v25;
	v37 =	vmul.f32 v59, v12;
	v55 =	vmov s29;
	v28 =	vadd.f32 v43, v28  }
0xc0: {  	v53 =	vld [tilespmem:s17+$0x60];
	v27 =	vadd.f32 v62, v27;
	v22 =	vadd.f32 v30, v22;
	v30 =	vmul.f32 v57, v13  }
0xc1: {  	v59 =	vmul.f32 v52, v11;
	v52 =	vor.u32 v5, v29;
	v57 =	vmul.f32 v63, v11;
	v63 =	vld [tilespmem:s23+$0x40];
	v48, _, _ =	vpop (xrf2)  }
0xc2: {  	v28 =	vadd.f32 v40, v28;
	v25 =	vadd.f32 v30, v27;
	v30 =	vld [tilespmem:s17+$0xFFFFFFF0];
	v56 =	vmul.f32 $1.442695020e+00, v48  }
0xc3: {  	v41 =	vbroadcast v61, $0x0;
	v61 =	vld [tilespmem:s23+$0xFFFFFFC0];
	v45 =	vmul.f32 v45, v12;
	v22 =	vadd.f32 v38, v22  }
0xc4: {  	[tilespmem:v42+s14+$0x0] =	vst.idx.add.f32.msk $0xffff, v24;
	v62 =	vmul.f32 v54, v10;
	v28 =	vadd.f32 v37, v28;
	v60 =	vbroadcast v56, $0xF  }
0xc5: {  	v58 =	vld [tilespmem:s17+$0x70];
	v22 =	vadd.f32 v57, v22;
	v24 =	vadd.f32 v45, v25;
	v25 =	vmul.f32 v53, v11  }
0xc6: {  	v27 =	vor.u32 v5, v33;
	v53 =	vld [tilespmem:s23+$0xFFFFFF50];
	v39 =	vmul.f32 v63, v18;
	(erf) = vpow2.f32 v60  }
0xc7: {  	v37 =	vld.idx.msk [tilespmem:v55+s13+$0x0], $0xffff;
	v28 =	vadd.f32 v59, v28;
	v22 =	vadd.f32 v62, v22;
	v30 =	vmul.f32 v30, v10  }
0xc8: {  	v55 =	vor.u32 v6, v23;
	[tilespmem:v52+s14+$0x0] =	vst.idx.add.f32.msk $0xffff, v39  }
0xc9: {  	s30 =	simm.s32 $0x5;
	(xrf2) =	vadd.scan.msk.f32 $0xffff, v22;
	v22 =	vld.idx.msk [tilespmem:v41+s13+$0x0], $0xffff;
	v28 =	vadd.f32 v30, v28;
	v30 =	vmul.f32 v61, v32  }
0xca: {  	v54 =	vmov s30;
	v24 =	vadd.f32 v25, v24;
	v25 =	vmul.f32 v58, v10;
	v58 =	vld [tilespmem:s23+$0x50]  }
0xcb: {  	v38 =	vand.u32 $0xFFFFFFFD, v54;
	[tilespmem:v27+s14+$0x0] =	vst.idx.add.f32.msk $0xffff, v30;
	(xrf2) =	vadd.scan.msk.f32 $0xffff, v28;
	v28 =	vmul.f32 v53, v26  }
0xcc: {  	v59 =	vor.u32 v6, v29;
	v56 =	vbroadcast v38, $0x0;
	v38 =	vshll.u32 v37, $0x7;
	v57 =	vld [tilespmem:s23+$0xFFFFFFD0]  }
0xcd: {  	v27 =	vor.u32 v0, v38;
	[tilespmem:v55+s14+$0x0] =	vst.idx.add.f32.msk $0xffff, v28  }
0xce: {  	v41 =	vld [tilespmem:s23+$0xFFFFFF60]  }
0xcf: {  	v24 =	vadd.f32 v25, v24;
	v25 =	vor.u32 v6, v33;
	v40 =	vmul.f32 v58, v18;
	v30 =	vpop (erf)  }
0xd0: {  	v60 =	vor.u32 v7, v23;
	v28 =	vmul.f32 v30, v20  }
0xd1: {  	(xrf2) =	vadd.scan.msk.f32 $0xffff, v24;
	[tilespmem:v59+s14+$0x0] =	vst.idx.add.f32.msk $0xffff, v40  }
0xd2: {  	v24 =	vmul.f32 v57, v32;
	[tilespmem:v27+s14+$0x0] =	vst.idx.add.f32.msk $0xffff, v28  }
0xd3: {  	s31 =	simm.s32 $0x6;
	v41 =	vmul.f32 v41, v26;
	v27 =	vld [tilespmem:s17+$0x90]  }
0xd4: {  	v61 =	vmov s31;
	[tilespmem:v25+s14+$0x0] =	vst.idx.add.f32.msk $0xffff, v24;
	v28, _, _ =	vpop (xrf2)  }
0xd5: {  	v24 =	vand.u32 $0xFFFFFFFE, v61;
	v25 =	vor.u32 v2, v38;
	[tilespmem:v60+s14+$0x0] =	vst.idx.add.f32.msk $0xffff, v41;
	v28 =	vmul.f32 $1.442695020e+00, v28  }
0xd6: {  	v24 =	vbroadcast v24, $0x0;
	v49 =	vld [tilespmem:s23+$0xFFFFFF70];
	v62, _, _ =	vpop (xrf2)  }
0xd7: {  	v43 =	vld [tilespmem:s23+$0x60];
	v40 =	vmul.f32 $1.442695020e+00, v62;
	v28 =	vbroadcast v28, $0xF  }
0xd8: {  	v21 =	vshll.u32 v21, $0x4;
	v23 =	vor.u32 v8, v23;
	v63 =	vld [tilespmem:s23+$0xFFFFFFE0];
	v27 =	vmul.f32 v30, v27  }
0xd9: {  	v58 =	vadd.s32 v9, v21;
	v20 =	vld.idx.msk [tilespmem:v56+s13+$0x0], $0xffff;
	v48 =	vbroadcast v40, $0xF;
	(erf) = vpow2.f32 v28  }
0xda: {  	v28 =	vor.u32 v7, v33;
	[tilespmem:v25+s14+$0x0] =	vst.idx.add.f32.msk $0xffff, v27  }
0xdb: {  	v50 =	vor.u32 v7, v29;
	v54 =	vmul.f32 v49, v26;
	v25, _, _ =	vpop (xrf2);
	(erf) = vpow2.f32 v48;
	v51 =	vld [tilespmem:s17+$0xA0]  }
0xdc: {  	v27 =	vld.idx.msk [tilespmem:v24+s13+$0x0], $0xffff;
	v25 =	vmul.f32 $1.442695020e+00, v25  }
0xdd: {  	v53 =	vor.u32 v3, v38;
	v52 =	vmul.f32 v63, v32;
	[tilespmem:v23+s14+$0x0] =	vst.idx.add.f32.msk $0xffff, v54  }
0xde: {  	v24 =	vmul.f32 v43, v18;
	[tilespmem:v58+s14+$0x0] =	vst.idx.add.f32.msk $0xffff, v26;
	v25 =	vbroadcast v25, $0xF  }
0xdf: {  	[tilespmem:v28+s14+$0x0] =	vst.idx.add.f32.msk $0xffff, v52;
	v28 =	vshll.u32 v22, $0x7  }
0xe0: {  	[tilespmem:v50+s14+$0x0] =	vst.idx.add.f32.msk $0xffff, v24;
	v55 =	vor.u32 v0, v28;
	(erf) = vpow2.f32 v25;
	v57 =	vmul.f32 v30, v51  }
0xe1: {  	v24 =	vshll.u32 v20, $0x7;
	v56 =	vld [tilespmem:s23+$0xFFFFFFF0]  }
0xe2: {  	v59 =	vor.u32 v0, v24;
	v25 =	vpop (erf);
	[tilespmem:v53+s14+$0x0] =	vst.idx.add.f32.msk $0xffff, v57  }
0xe3: {  	v21 =	vmul.f32 v25, v34;
	v42 =	vld [tilespmem:s17+$0xB0]  }
0xe4: {  	v33 =	vor.u32 v8, v33;
	v44 =	vld [tilespmem:s23+$0x70];
	v23 =	vpop (erf)  }
0xe5: {  	v60 =	vor.u32 v4, v38;
	v36 =	vmul.f32 v23, v36;
	[tilespmem:v55+s14+$0x0] =	vst.idx.add.f32.msk $0xffff, v21  }
0xe6: {  	v21 =	vshll.u32 v27, $0x7;
	v40 =	vld [tilespmem:s17+$0xFFFFFF10]  }
0xe7: {  	v61 =	vmul.f32 v56, v32;
	[tilespmem:v59+s14+$0x0] =	vst.idx.add.f32.msk $0xffff, v36;
	v62 =	vor.u32 v0, v21  }
0xe8: {  	v36 =	vld [tilespmem:s17+$0xFFFFFF90];
	v63 =	vmul.f32 v30, v42  }
0xe9: {  	v45 =	vor.u32 v2, v28;
	[tilespmem:v33+s14+$0x0] =	vst.idx.add.f32.msk $0xffff, v61;
	v26 =	vpop (erf)  }
0xea: {  	v47 =	vor.u32 v2, v24;
	v46 =	vmul.f32 v26, v35;
	[tilespmem:v60+s14+$0x0] =	vst.idx.add.f32.msk $0xffff, v63  }
0xeb: {  	v48 =	vld [tilespmem:s17+$0xC0]  }
0xec: {  	v40 =	vmul.f32 v25, v40;
	[tilespmem:v62+s14+$0x0] =	vst.idx.add.f32.msk $0xffff, v46  }
0xed: {  	v50 =	vor.u32 v5, v38;
	v49 =	vmul.f32 v23, v36;
	v34 =	vld [tilespmem:s17+$0x10]  }
0xee: {  	v31 =	vshll.u32 v31, $0x4;
	[tilespmem:v45+s14+$0x0] =	vst.idx.add.f32.msk $0xffff, v40  }
0xef: {  	v31 =	vadd.s32 v9, v31;
	[tilespmem:v47+s14+$0x0] =	vst.idx.add.f32.msk $0xffff, v49  }
0xf0: {  	v51 =	vor.u32 v2, v21;
	v52 =	vld [tilespmem:s17+$0xFFFFFF20];
	v39 =	vmul.f32 v48, v30  }
0xf1: {  	v53 =	vld [tilespmem:s17+$0xFFFFFFA0]  }
0xf2: {  	v54 =	vor.u32 v3, v28;
	[tilespmem:v50+s14+$0x0] =	vst.idx.add.f32.msk $0xffff, v39  }
0xf3: {  	v55 =	vor.u32 v3, v24;
	v34 =	vmul.f32 v26, v34;
	v39 =	vld [tilespmem:s17+$0xD0]  }
0xf4: {  	[tilespmem:v31+s14+$0x0] =	vst.idx.add.f32.msk $0xffff, v32  }
0xf5: {  	v57 =	vor.u32 v6, v38;
	[tilespmem:v51+s14+$0x0] =	vst.idx.add.f32.msk $0xffff, v34;
	v56 =	vmul.f32 v25, v52  }
0xf6: {  	v34 =	vld [tilespmem:s17+$0x20];
	v40 =	vmul.f32 v23, v53  }
0xf7: {  	[tilespmem:v54+s14+$0x0] =	vst.idx.add.f32.msk $0xffff, v56  }
0xf8: {  	v31 =	vor.u32 v3, v21;
	[tilespmem:v55+s14+$0x0] =	vst.idx.add.f32.msk $0xffff, v40;
	v58 =	vmul.f32 v39, v30  }
0xf9: {  	v33 =	vld [tilespmem:s17+$0xFFFFFF30]  }
0xfa: {  	v29 =	vor.u32 v8, v29;
	[tilespmem:v57+s14+$0x0] =	vst.idx.add.f32.msk $0xffff, v58  }
0xfb: {  	v59 =	vor.u32 v4, v28;
	v34 =	vmul.f32 v26, v34;
	v35 =	vld [tilespmem:s17+$0xE0]  }
0xfc: {  	v60 =	vld [tilespmem:s17+$0xFFFFFFB0]  }
0xfd: {  	v61 =	vor.u32 v7, v38;
	[tilespmem:v31+s14+$0x0] =	vst.idx.add.f32.msk $0xffff, v34;
	v31 =	vmul.f32 v44, v18  }
0xfe: {  	v33 =	vmul.f32 v25, v33;
	v62 =	vld [tilespmem:s17+$0x30]  }
0xff: {  	[tilespmem:v29+s14+$0x0] =	vst.idx.add.f32.msk $0xffff, v31  }
0x100: {  	v63 =	vor.u32 v4, v24;
	[tilespmem:v59+s14+$0x0] =	vst.idx.add.f32.msk $0xffff, v33;
	v29 =	vmul.f32 v35, v30  }
0x101: {  	v32 =	vld [tilespmem:s17+$0xFFFFFF40]  }
0x102: {  	[tilespmem:v61+s14+$0x0] =	vst.idx.add.f32.msk $0xffff, v29  }
0x103: {  	s18 =	simm.s32 $0x500;
	v31 =	vmul.f32 v23, v60;
	v33 =	vld [tilespmem:s17+$0xF0]  }
0x104: {  	v34 =	vld [tilespmem:s18+$0x90]  }
0x105: {  	[tilespmem:v63+s14+$0x0] =	vst.idx.add.f32.msk $0xffff, v31;
	v29 =	vshll.u32 v37, $0x4;
	v37 =	vor.u32 v8, v38  }
0x106: {  	v31 =	vld [tilespmem:s18+$0x80];
	v36 =	vadd.s32 v9, v29  }
0x107: {  	s20 =	simm.s32 $0xC;
	s19 =	simm.s32 $0x8;
	v35 =	vmul.f32 v26, v62;
	v32 =	vmul.f32 v32, v25;
	v29 =	vld [tilespmem:s18+$0xFFFFFF00]  }
.LBB2_6:
0x108: {  	p1 =	slt.u32 s20, $0x7C;
	v38 =	vld [tilespmem:s18+$0xA0];
	v33 =	vmul.f32 v33, v30  }
0x109: {  	v39 =	vld [tilespmem:s18+$0xB0]  }
0x10a: {  	[tilespmem:v37+s14+$0x0] =	vst.idx.add.f32.msk $0xffff, v33  }
0x10b: {  	v33 =	vmul.f32 v31, v17;
	v34 =	vmul.f32 v34, v16;
	[tilespmem:v36+s14+$0x0] =	vst.idx.add.f32.msk $0xffff, v30  }
0x10c: {  	v30 =	vmul.f32 v29, v17;
	v36 =	vld [tilespmem:s18+$0xC0]  }
0x10d: {  	v37 =	vld [tilespmem:s18+$0xFFFFFF10];
	v34 =	vadd.f32 v34, v33;
	v38 =	vmul.f32 v38, v15  }
0x10e: {  	v40 =	vld [tilespmem:s18+$0xD0]  }
0x10f: {  	v33 =	vld [tilespmem:s18+$0xFFFFFF80];
	v34 =	vadd.f32 v38, v34;
	v38 =	vmul.f32 v39, v14  }
0x110: {  	v39 =	vld [tilespmem:s18+$0xE0]  }
0x111: {  	v41 =	vld [tilespmem:s18+$0xFFFFFF90];
	v38 =	vadd.f32 v38, v34;
	v36 =	vmul.f32 v36, v13  }
0x112: {  	v37 =	vmul.f32 v37, v16;
	v42 =	vld [tilespmem:s18+$0xF0]  }
0x113: {  	v34 =	vld [tilespmem:s18+$0x0];
	v36 =	vadd.f32 v36, v38;
	v38 =	vmul.f32 v40, v12  }
0x114: {  	v30 =	vadd.f32 v37, v30;
	v37 =	vmul.f32 v33, v17;
	v40 =	vld [tilespmem:s18+$0x10]  }
0x115: {  	v43 =	vld [tilespmem:s18+$0xFFFFFF20];
	v36 =	vadd.f32 v38, v36;
	v38 =	vmul.f32 v39, v11  }
0x116: {  	v39 =	vmul.f32 v41, v16;
	v41 =	vld [tilespmem:s18+$0xFFFFFFA0]  }
0x117: {  	v44 =	vld [tilespmem:s18+$0x20];
	v36 =	vadd.f32 v38, v36;
	v38 =	vmul.f32 v42, v10  }
0x118: {  	v42 =	vld [tilespmem:s18+$0xFFFFFF30];
	v37 =	vadd.f32 v39, v37;
	v39 =	vmul.f32 v34, v17  }
0x119: {  	v45 =	vld [tilespmem:s18+$0xFFFFFFB0];
	v40 =	vmul.f32 v40, v16;
	v36 =	vadd.f32 v38, v36  }
0x11a: {  	v38 =	vmul.f32 v43, v15;
	v43 =	vld [tilespmem:s18+$0x30]  }
0x11b: {  	v46 =	vld [tilespmem:s18+$0xFFFFFF40];
	v41 =	vmul.f32 v41, v15;
	v39 =	vadd.f32 v40, v39;
	(xrf2) =	vadd.scan.msk.f32 $0xffff, v36  }
0x11c: {  	v30 =	vadd.f32 v38, v30;
	v36 =	vld [tilespmem:s18+$0xFFFFFFC0];
	v38 =	vmul.f32 v44, v15  }
0x11d: {  	v40 =	vmul.f32 v42, v14;
	v37 =	vadd.f32 v41, v37;
	v41 =	vld [tilespmem:s18+$0x40]  }
0x11e: {  	v42 =	vmov s19;
	v44 =	vld [tilespmem:s18+$0xFFFFFF50];
	v45 =	vmul.f32 v45, v14;
	v38 =	vadd.f32 v38, v39  }
0x11f: {  	v39 =	vand.u32 $0xFFFFFFFC, v42;
	v30 =	vadd.f32 v40, v30;
	v40 =	vld [tilespmem:s18+$0xFFFFFFD0];
	v42 =	vmul.f32 v43, v14  }
0x120: {  	v43 =	vmul.f32 v46, v13;
	v37 =	vadd.f32 v45, v37;
	v45 =	vld [tilespmem:s18+$0x50];
	v46 =	vshll.u32 v19, $0x4;
	v19 =	vmovc v27  }
0x121: {  	v27 =	vld [tilespmem:s18+$0xFFFFFF60];
	v36 =	vmul.f32 v36, v13;
	v38 =	vadd.f32 v42, v38;
	v42 =	vor.u32 v5, v28  }
0x122: {  	v47 =	vor.u32 v4, v21;
	v30 =	vadd.f32 v43, v30;
	v43 =	vld [tilespmem:s18+$0xFFFFFFE0];
	v41 =	vmul.f32 v41, v13  }
0x123: {  	v46 =	vadd.s32 v9, v46;
	v44 =	vmul.f32 v44, v12;
	v36 =	vadd.f32 v36, v37;
	v37 =	vld [tilespmem:s18+$0x60]  }
0x124: {  	s21 =	sadd.s32 $0x3, s19;
	v48 =	vld [tilespmem:s18+$0xFFFFFF70];
	v40 =	vmul.f32 v40, v12;
	v38 =	vadd.f32 v41, v38;
	v41 =	vor.u32 v5, v24  }
0x125: {  	v49 =	vmov s21;
	v30 =	vadd.f32 v44, v30;
	v44 =	vld [tilespmem:s18+$0xFFFFFFF0];
	v45 =	vmul.f32 v45, v12;
	v50, _, _ =	vpop (xrf2)  }
0x126: {  	v27 =	vmul.f32 v27, v11;
	v36 =	vadd.f32 v40, v36;
	v40 =	vld [tilespmem:s18+$0x70];
	v50 =	vmul.f32 $1.442695020e+00, v50  }
0x127: {  	v39 =	vbroadcast v39, $0x0;
	v43 =	vmul.f32 v43, v11;
	v38 =	vadd.f32 v45, v38;
	[tilespmem:v47+s14+$0x0] =	vst.idx.add.f32.msk $0xffff, v35  }
0x128: {  	v27 =	vadd.f32 v27, v30;
	v30 =	vmul.f32 v37, v11;
	v35 =	vbroadcast v50, $0xF;
	v37 =	vld [tilespmem:s17+$0xFFFFFFC0]  }
0x129: {  	v45 =	vmul.f32 v48, v10;
	v43 =	vadd.f32 v43, v36;
	v47 =	vld [tilespmem:s17+$0x40];
	v48 =	vor.u32 v5, v21  }
0x12a: {  	v44 =	vmul.f32 v44, v10;
	v30 =	vadd.f32 v30, v38;
	v36 =	vld.idx.msk [tilespmem:v49+s13+$0x0], $0xffff;
	(erf) = vpow2.f32 v35  }
0x12b: {  	s21 =	sadd.s32 $0x1, s19;
	v27 =	vadd.f32 v45, v27;
	v35 =	vmul.f32 v40, v10;
	[tilespmem:v42+s14+$0x0] =	vst.idx.add.f32.msk $0xffff, v32  }
0x12c: {  	v32 =	vmov s21;
	v38 =	vadd.f32 v44, v43;
	v40 =	vld [tilespmem:s17+$0xFFFFFF50]  }
0x12d: {  	v30 =	vadd.f32 v35, v30;
	(xrf2) =	vadd.scan.msk.f32 $0xffff, v27;
	v27 =	vmul.f32 v37, v23;
	[tilespmem:v46+s14+$0x0] =	vst.idx.add.f32.msk $0xffff, v18  }
0x12e: {  	v32 =	vand.u32 $0xFFFFFFFD, v32;
	v37 =	vor.u32 v6, v28;
	v18 =	vmovc v26;
	v35 =	vld.idx.msk [tilespmem:v39+s13+$0x0], $0xffff;
	v39 =	vmul.f32 v47, v26  }
0x12f: {  	v26 =	vbroadcast v32, $0x0;
	[tilespmem:v41+s14+$0x0] =	vst.idx.add.f32.msk $0xffff, v27  }
0x130: {  	v32 =	vshll.u32 v36, $0x7;
	(xrf2) =	vadd.scan.msk.f32 $0xffff, v38;
	[tilespmem:v48+s14+$0x0] =	vst.idx.add.f32.msk $0xffff, v39  }
0x131: {  	v27 =	vor.u32 v0, v32;
	v38 =	vmul.f32 v40, v25;
	v39 =	vld [tilespmem:s17+$0xFFFFFFD0]  }
0x132: {  	v40 =	vld [tilespmem:s17+$0x50]  }
0x133: {  	(xrf2) =	vadd.scan.msk.f32 $0xffff, v30;
	v30 =	vpop (erf);
	[tilespmem:v37+s14+$0x0] =	vst.idx.add.f32.msk $0xffff, v38;
	v37 =	vor.u32 v6, v24  }
0x134: {  	v41 =	vor.u32 v6, v21;
	v43 =	vmul.f32 v30, v31;
	v38 =	vld [tilespmem:s17+$0xFFFFFF60]  }
0x135: {  	v42 =	vld.idx.msk [tilespmem:v26+s13+$0x0], $0xffff  }
0x136: {  	[tilespmem:v27+s14+$0x0] =	vst.idx.add.f32.msk $0xffff, v43;
	v26 =	vmul.f32 v39, v23  }
0x137: {  	s21 =	sadd.s32 $0x2, s19;
	s19 =	smov.u32 s20;
	v39 =	vor.u32 v7, v28;
	v27 =	vld [tilespmem:s18+$0x90];
	v31, _, _ =	vpop (xrf2);
	v44 =	vmul.f32 v40, v18  }
0x138: {  	v43 =	vmov s21;
	v31 =	vmul.f32 $1.442695020e+00, v31;
	[tilespmem:v37+s14+$0x0] =	vst.idx.add.f32.msk $0xffff, v26  }
0x139: {  	v26 =	vand.u32 $0xFFFFFFFE, v43;
	v37 =	vor.u32 v2, v32;
	v38 =	vmul.f32 v38, v25;
	[tilespmem:v41+s14+$0x0] =	vst.idx.add.f32.msk $0xffff, v44  }
0x13a: {  	v26 =	vbroadcast v26, $0x0;
	v31 =	vbroadcast v31, $0xF;
	v40, _, _ =	vpop (xrf2);
	v41 =	vld [tilespmem:s17+$0xFFFFFFE0]  }
0x13b: {  	v40 =	vmul.f32 $1.442695020e+00, v40;
	v43 =	vld [tilespmem:s17+$0x60]  }
0x13c: {  	v27 =	vmul.f32 v30, v27;
	(erf) = vpow2.f32 v31;
	[tilespmem:v39+s14+$0x0] =	vst.idx.add.f32.msk $0xffff, v38;
	v31 =	vor.u32 v7, v24  }
0x13d: {  	v44 =	vor.u32 v7, v21;
	v38 =	vbroadcast v40, $0xF;
	v39, _, _ =	vpop (xrf2);
	v40 =	vld [tilespmem:s17+$0xFFFFFF70]  }
0x13e: {  	v39 =	vmul.f32 $1.442695020e+00, v39;
	[tilespmem:v37+s14+$0x0] =	vst.idx.add.f32.msk $0xffff, v27  }
0x13f: {  	v37 =	vld [tilespmem:s18+$0xA0];
	(erf) = vpow2.f32 v38;
	v38 =	vmul.f32 v41, v23  }
0x140: {  	v27 =	vld.idx.msk [tilespmem:v26+s13+$0x0], $0xffff;
	v26 =	vbroadcast v39, $0xF;
	v39 =	vor.u32 v8, v28;
	v41 =	vmul.f32 v43, v18  }
0x141: {  	v43 =	vor.u32 v3, v32;
	[tilespmem:v31+s14+$0x0] =	vst.idx.add.f32.msk $0xffff, v38  }
0x142: {  	v28 =	vshll.u32 v35, $0x7;
	(erf) = vpow2.f32 v26;
	v26 =	vmul.f32 v40, v25;
	[tilespmem:v44+s14+$0x0] =	vst.idx.add.f32.msk $0xffff, v41  }
0x143: {  	v31 =	vor.u32 v0, v28;
	v38 =	vld [tilespmem:s17+$0xFFFFFFF0]  }
0x144: {  	v40 =	vshll.u32 v22, $0x4;
	v22 =	vmov v35;
	v37 =	vmul.f32 v30, v37;
	v41 =	vld [tilespmem:s17+$0x70];
	s17 =	smov.u32 s18  }
0x145: {  	v35 =	vshll.u32 v42, $0x7;
	v44 =	vpop (erf);
	[tilespmem:v39+s14+$0x0] =	vst.idx.add.f32.msk $0xffff, v26;
	v26 =	vadd.s32 v9, v40  }
0x146: {  	v39 =	vor.u32 v0, v35;
	v40 =	vmul.f32 v44, v29;
	[tilespmem:v43+s14+$0x0] =	vst.idx.add.f32.msk $0xffff, v37  }
0x147: {  	v37 =	vld [tilespmem:s18+$0xB0]  }
0x148: {  	[tilespmem:v31+s14+$0x0] =	vst.idx.add.f32.msk $0xffff, v40;
	v29 =	vpop (erf);
	v31 =	vmul.f32 v38, v23;
	v38 =	vor.u32 v8, v24;
	v24 =	vmov v35  }
0x149: {  	v40 =	vor.u32 v4, v32;
	v35 =	vld [tilespmem:s18+$0xFFFFFF10];
	v33 =	vmul.f32 v29, v33;
	v41 =	vmul.f32 v41, v18  }
0x14a: {  	v43 =	vshll.u32 v27, $0x7;
	[tilespmem:v26+s14+$0x0] =	vst.idx.add.f32.msk $0xffff, v25;
	v25 =	vmov v44  }
0x14b: {  	[tilespmem:v39+s14+$0x0] =	vst.idx.add.f32.msk $0xffff, v33;
	v33 =	vor.u32 v0, v43;
	v26 =	vpop (erf)  }
0x14c: {  	v39 =	vld [tilespmem:s18+$0xFFFFFF90];
	v34 =	vmul.f32 v26, v34;
	v37 =	vmul.f32 v30, v37  }
0x14d: {  	v44 =	vor.u32 v2, v28;
	[tilespmem:v38+s14+$0x0] =	vst.idx.add.f32.msk $0xffff, v31  }
0x14e: {  	v31 =	vmul.f32 v25, v35;
	v35 =	vor.u32 v2, v24;
	[tilespmem:v40+s14+$0x0] =	vst.idx.add.f32.msk $0xffff, v37  }
0x14f: {  	v37 =	vld [tilespmem:s18+$0xC0]  }
0x150: {  	[tilespmem:v33+s14+$0x0] =	vst.idx.add.f32.msk $0xffff, v34  }
0x151: {  	v38 =	vor.u32 v5, v32;
	v33 =	vmul.f32 v29, v39;
	v34 =	vld [tilespmem:s18+$0x10]  }
0x152: {  	[tilespmem:v44+s14+$0x0] =	vst.idx.add.f32.msk $0xffff, v31  }
0x153: {  	v31 =	vor.u32 v2, v43;
	[tilespmem:v35+s14+$0x0] =	vst.idx.add.f32.msk $0xffff, v33  }
0x154: {  	v33 =	vld [tilespmem:s18+$0xFFFFFF20];
	v35 =	vmul.f32 v37, v30;
	v37 =	vshll.u32 v20, $0x4;
	v20 =	vmov v42  }
0x155: {  	v39 =	vld [tilespmem:s18+$0xFFFFFFA0];
	v37 =	vadd.s32 v9, v37  }
0x156: {  	v40 =	vor.u32 v3, v28;
	v34 =	vmul.f32 v26, v34;
	[tilespmem:v38+s14+$0x0] =	vst.idx.add.f32.msk $0xffff, v35  }
0x157: {  	v35 =	vor.u32 v3, v24;
	v38 =	vld [tilespmem:s18+$0xD0]  }
0x158: {  	[tilespmem:v31+s14+$0x0] =	vst.idx.add.f32.msk $0xffff, v34  }
0x159: {  	v34 =	vor.u32 v6, v32;
	v31 =	vmul.f32 v25, v33;
	v33 =	vld [tilespmem:s18+$0x20]  }
0x15a: {  	v39 =	vmul.f32 v29, v39;
	[tilespmem:v37+s14+$0x0] =	vst.idx.add.f32.msk $0xffff, v23;
	v23 =	vmov v29  }
0x15b: {  	v29 =	vor.u32 v3, v43;
	[tilespmem:v40+s14+$0x0] =	vst.idx.add.f32.msk $0xffff, v31  }
0x15c: {  	[tilespmem:v35+s14+$0x0] =	vst.idx.add.f32.msk $0xffff, v39;
	v31 =	vmul.f32 v38, v30  }
0x15d: {  	v35 =	vld [tilespmem:s18+$0xFFFFFF30]  }
0x15e: {  	v33 =	vmul.f32 v26, v33;
	[tilespmem:v34+s14+$0x0] =	vst.idx.add.f32.msk $0xffff, v31;
	v31 =	vor.u32 v8, v21;
	v21 =	vmov v43  }
0x15f: {  	v34 =	vor.u32 v4, v28;
	v37 =	vld [tilespmem:s18+$0xE0]  }
0x160: {  	[tilespmem:v29+s14+$0x0] =	vst.idx.add.f32.msk $0xffff, v33  }
0x161: {  	v33 =	vor.u32 v7, v32;
	v29 =	vld [tilespmem:s18+$0xFFFFFFB0]  }
0x162: {  	v35 =	vmul.f32 v25, v35;
	v38 =	vld [tilespmem:s18+$0x30]  }
0x163: {  	v39 =	vor.u32 v4, v24;
	[tilespmem:v31+s14+$0x0] =	vst.idx.add.f32.msk $0xffff, v41  }
0x164: {  	[tilespmem:v34+s14+$0x0] =	vst.idx.add.f32.msk $0xffff, v35;
	v31 =	vmul.f32 v37, v30  }
0x165: {  	v40 =	vld [tilespmem:s18+$0xFFFFFF40]  }
0x166: {  	v29 =	vmul.f32 v23, v29;
	[tilespmem:v33+s14+$0x0] =	vst.idx.add.f32.msk $0xffff, v31  }
.Ltmp6:
0x167: {  	v35 =	vmul.f32 v26, v38;
	v33 =	vld [tilespmem:s18+$0xF0];
	(pc) =	sbr.rel @p1 .LBB2_6-.Ltmp6, $4  }
0x168: {  	s18 =	sadd.s32 $0x200, s18;
	[tilespmem:v39+s14+$0x0] =	vst.idx.add.f32.msk $0xffff, v29  }
0x169: {  	v37 =	vor.u32 v8, v32;
	v29 =	vshll.u32 v36, $0x4;
	v31 =	vld [tilespmem:s18+$0x80]  }
0x16a: {  	v36 =	vadd.s32 v9, v29;
	v34 =	vld [tilespmem:s18+$0x90];
	v32 =	vmul.f32 v40, v25  }
0x16b: {  	s20 =	sadd.s32 $0x4, s20;
	v29 =	vld [tilespmem:s18+$0xFFFFFF00]  }
0x16c: {  	v38 =	vld [tilespmem:s18+$0xA0]  }
0x16d: {  	v39 =	vld [tilespmem:s18+$0xB0]  }
0x16e: {  	v53 =	vld [tilespmem:s18+$0xC0]  }
0x16f: {  	v56 =	vld [tilespmem:s18+$0xD0]  }
0x170: {  	v57 =	vld [tilespmem:s18+$0xFFFFFF10]  }
0x171: {  	v59 =	vld [tilespmem:s18+$0xE0]  }
0x172: {  	v60 =	vld [tilespmem:s18+$0xF0]  }
0x173: {  	v40 =	vld [tilespmem:s18+$0xFFFFFF90]  }
0x174: {  	v41 =	vld [tilespmem:s18+$0x10]  }
0x175: {  	v62 =	vld [tilespmem:s18+$0xFFFFFF20]  }
0x176: {  	v42 =	vld [tilespmem:s18+$0xFFFFFFA0]  }
0x177: {  	v33 =	vmul.f32 v33, v30;
	v48 =	vld [tilespmem:s18+$0x20]  }
0x178: {  	v44 =	vld [tilespmem:s18+$0xFFFFFF30];
	v52 =	vmul.f32 v31, v17;
	v34 =	vmul.f32 v34, v16  }
0x179: {  	v45 =	vld [tilespmem:s18+$0xFFFFFFB0]  }
0x17a: {  	[tilespmem:v37+s14+$0x0] =	vst.idx.add.f32.msk $0xffff, v33;
	v54 =	vadd.f32 v34, v52;
	v55 =	vmul.f32 v38, v15  }
0x17b: {  	[tilespmem:v36+s14+$0x0] =	vst.idx.add.f32.msk $0xffff, v30  }
0x17c: {  	v47 =	vld [tilespmem:s18+$0x30];
	v43 =	vmul.f32 v29, v17;
	v58 =	vmul.f32 v39, v14;
	v33 =	vadd.f32 v55, v54  }
0x17d: {  	v30 =	vld [tilespmem:s18+$0xFFFFFF80];
	v37 =	vmul.f32 v53, v13;
	v34 =	vmul.f32 v56, v12  }
0x17e: {  	v61 =	vmul.f32 v59, v11;
	v63 =	vmul.f32 v60, v10;
	v52 =	vld [tilespmem:s18+$0xFFFFFF40];
	v33 =	vadd.f32 v58, v33  }
0x17f: {  	v36 =	vmul.f32 v57, v16;
	v40 =	vmul.f32 v40, v16;
	v59 =	vld [tilespmem:s18+$0xFFFFFFD0]  }
0x180: {  	v38 =	vmul.f32 v48, v15;
	v48 =	vor.u32 v4, v21;
	v54 =	vld [tilespmem:s18+$0xFFFFFFC0];
	v37 =	vadd.f32 v37, v33  }
0x181: {  	v51 =	vmul.f32 v41, v16;
	v39 =	vmul.f32 v62, v15;
	v33 =	vld [tilespmem:s18+$0x0]  }
0x182: {  	v62 =	vld [tilespmem:s18+$0xFFFFFF60];
	v50 =	vadd.f32 v36, v43;
	v43 =	vor.u32 v5, v28;
	v34 =	vadd.f32 v34, v37  }
0x183: {  	v53 =	vmul.f32 v42, v15;
	v55 =	vld [tilespmem:s18+$0x40];
	v49 =	vmul.f32 v30, v17  }
0x184: {  	v56 =	vmul.f32 v44, v14;
	v45 =	vmul.f32 v45, v14;
	v58 =	vld [tilespmem:s18+$0xFFFFFF50];
	v34 =	vadd.f32 v61, v34  }
0x185: {  	v19 =	vshll.u32 v19, $0x4;
	v60 =	vmul.f32 v47, v14;
	[tilespmem:v48+s14+$0x0] =	vst.idx.add.f32.msk $0xffff, v35;
	v37 =	vadd.f32 v40, v49  }
0x186: {  	v42 =	vmul.f32 v54, v13;
	v54 =	vld [tilespmem:s18+$0x60];
	v46 =	vmul.f32 v33, v17;
	v34 =	vadd.f32 v63, v34  }
0x187: {  	v57 =	vmov s19;
	v41 =	vmul.f32 v52, v13;
	[tilespmem:v43+s14+$0x0] =	vst.idx.add.f32.msk $0xffff, v32;
	v37 =	vadd.f32 v53, v37  }
0x188: {  	v49 =	vadd.s32 v9, v19;
	v61 =	vld [tilespmem:s18+$0x50];
	v36 =	vadd.f32 v51, v46;
	(xrf2) =	vadd.scan.msk.f32 $0xffff, v34;
	v34 =	vadd.f32 v39, v50  }
0x189: {  	v19 =	vmul.f32 v59, v12;
	v52 =	vmul.f32 v58, v12;
	v53 =	vld [tilespmem:s18+$0xFFFFFF70];
	v37 =	vadd.f32 v45, v37  }
0x18a: {  	v63 =	vld [tilespmem:s18+$0xFFFFFFE0];
	v45 =	vmul.f32 v62, v11;
	v36 =	vadd.f32 v38, v36;
	v34 =	vadd.f32 v56, v34  }
0x18b: {  	v47 =	vld [tilespmem:s17+$0x40];
	v48 =	vmul.f32 v54, v11;
	v51 =	vor.u32 v5, v21;
	v37 =	vadd.f32 v42, v37  }
0x18c: {  	s20 =	sadd.s32 $0x3, s19;
	v39 =	vmul.f32 v55, v13;
	v56 =	vld [tilespmem:s18+$0xFFFFFFF0];
	v36 =	vadd.f32 v60, v36;
	v34 =	vadd.f32 v41, v34  }
0x18d: {  	v58 =	vld [tilespmem:s18+$0x70];
	v50 =	vmov s20;
	v38 =	vand.u32 $0xFFFFFFFC, v57;
	v57 =	vmul.f32 v61, v12  }
0x18e: {  	v44 =	vmul.f32 v53, v10;
	v53 =	vld [tilespmem:s17+$0xFFFFFF50];
	v36 =	vadd.f32 v39, v36;
	v34 =	vadd.f32 v52, v34  }
0x18f: {  	v62 =	vld [tilespmem:s17+$0xFFFFFFC0];
	v19 =	vadd.f32 v19, v37;
	v59 =	vbroadcast v38, $0x0;
	v61 =	vmul.f32 v63, v11  }
0x190: {  	v36 =	vadd.f32 v57, v36;
	v57 =	vor.u32 v6, v28;
	v34 =	vadd.f32 v45, v34  }
0x191: {  	v63 =	vor.u32 v5, v24;
	v38 =	vadd.f32 v61, v19;
	v39 =	vmul.f32 v56, v10  }
0x192: {  	v56 =	vmul.f32 v58, v10;
	v58 =	vmul.f32 v47, v26;
	v55, _, _ =	vpop (xrf2);
	v34 =	vadd.f32 v44, v34  }
0x193: {  	v19 =	vld.idx.msk [tilespmem:v50+s13+$0x0], $0xffff;
	v35 =	vmul.f32 v53, v25;
	v54 =	vadd.f32 v39, v38;
	v40 =	vmul.f32 $1.442695020e+00, v55  }
0x194: {  	[tilespmem:v51+s14+$0x0] =	vst.idx.add.f32.msk $0xffff, v58;
	v55 =	vmul.f32 v62, v23;
	(xrf2) =	vadd.scan.msk.f32 $0xffff, v34  }
0x195: {  	v52 =	vadd.f32 v48, v36;
	[tilespmem:v57+s14+$0x0] =	vst.idx.add.f32.msk $0xffff, v35;
	v60 =	vbroadcast v40, $0xF;
	(xrf2) =	vadd.scan.msk.f32 $0xffff, v54  }
0x196: {  	[tilespmem:v63+s14+$0x0] =	vst.idx.add.f32.msk $0xffff, v55  }
0x197: {  	v32 =	vadd.f32 v56, v52;
	v63 =	vld [tilespmem:s17+$0x50];
	(erf) = vpow2.f32 v60  }
0x198: {  	v37 =	vld [tilespmem:s17+$0xFFFFFF60]  }
0x199: {  	v47 =	vor.u32 v6, v21;
	v62 =	vld [tilespmem:s17+$0xFFFFFFD0];
	(xrf2) =	vadd.scan.msk.f32 $0xffff, v32  }
0x19a: {  	v51 =	vor.u32 v7, v28  }
0x19b: {  	s30 =	sadd.s32 $0x1, s19;
	[tilespmem:v49+s14+$0x0] =	vst.idx.add.f32.msk $0xffff, v18;
	v45 =	vor.u32 v6, v24  }
0x19c: {  	s31 =	sadd.s32 $0x2, s19;
	v18 =	vld.idx.msk [tilespmem:v59+s13+$0x0], $0xffff;
	v59 =	vmov s30;
	v52 =	vmul.f32 v63, v26  }
0x19d: {  	v34 =	vshll.u32 v19, $0x7;
	v54 =	vmov s31;
	v37 =	vmul.f32 v37, v25  }
0x19e: {  	v61 =	vor.u32 v0, v34;
	v55 =	vand.u32 $0xFFFFFFFE, v54;
	v48 =	vmul.f32 v62, v23;
	[tilespmem:v47+s14+$0x0] =	vst.idx.add.f32.msk $0xffff, v52;
	v50, _, _ =	vpop (xrf2)  }
0x19f: {  	v60 =	vand.u32 $0xFFFFFFFD, v59;
	v35 =	vbroadcast v55, $0x0;
	[tilespmem:v51+s14+$0x0] =	vst.idx.add.f32.msk $0xffff, v37;
	v58, _, _ =	vpop (xrf2)  }
0x1a0: {  	v36 =	vbroadcast v60, $0x0;
	[tilespmem:v45+s14+$0x0] =	vst.idx.add.f32.msk $0xffff, v48;
	v53 =	vmul.f32 $1.442695020e+00, v50;
	v32 =	vpop (erf)  }
0x1a1: {  	v60 =	vld [tilespmem:s17+$0x60];
	v40 =	vmul.f32 $1.442695020e+00, v58;
	v46 =	vmul.f32 v32, v31  }
0x1a2: {  	v43 =	vld [tilespmem:s17+$0xFFFFFF70];
	v57 =	vbroadcast v53, $0xF  }
0x1a3: {  	v48 =	vor.u32 v7, v21;
	v63, _, _ =	vpop (xrf2);
	v62 =	vbroadcast v40, $0xF;
	[tilespmem:v61+s14+$0x0] =	vst.idx.add.f32.msk $0xffff, v46  }
0x1a4: {  	v52 =	vor.u32 v8, v28;
	v40 =	vmul.f32 $1.442695020e+00, v63;
	(erf) = vpow2.f32 v57;
	v49 =	vld [tilespmem:s18+$0x90]  }
0x1a5: {  	v59 =	vld [tilespmem:s17+$0xFFFFFFE0];
	(erf) = vpow2.f32 v62  }
0x1a6: {  	v56 =	vor.u32 v2, v34;
	v31 =	vld.idx.msk [tilespmem:v36+s13+$0x0], $0xffff;
	v53 =	vmul.f32 v60, v26;
	v51 =	vbroadcast v40, $0xF  }
0x1a7: {  	v35 =	vld.idx.msk [tilespmem:v35+s13+$0x0], $0xffff;
	v55 =	vmul.f32 v43, v25;
	v61 =	vor.u32 v7, v24  }
0x1a8: {  	[tilespmem:v48+s14+$0x0] =	vst.idx.add.f32.msk $0xffff, v53;
	(erf) = vpow2.f32 v51  }
0x1a9: {  	v57 =	vshll.u32 v22, $0x4;
	[tilespmem:v52+s14+$0x0] =	vst.idx.add.f32.msk $0xffff, v55;
	v39 =	vmul.f32 v32, v49  }
0x1aa: {  	v36 =	vshll.u32 v18, $0x7;
	v50 =	vmul.f32 v59, v23;
	v58 =	vadd.s32 v9, v57;
	v43 =	vld [tilespmem:s17+$0x70]  }
0x1ab: {  	v44 =	vshll.u32 v31, $0x7;
	[tilespmem:v56+s14+$0x0] =	vst.idx.add.f32.msk $0xffff, v39;
	v56 =	vor.u32 v0, v36  }
0x1ac: {  	v60 =	vor.u32 v0, v44;
	[tilespmem:v61+s14+$0x0] =	vst.idx.add.f32.msk $0xffff, v50  }
0x1ad: {  	v40 =	vld [tilespmem:s17+$0xFFFFFFF0];
	v22 =	vpop (erf)  }
0x1ae: {  	v41 =	vshll.u32 v35, $0x7;
	v49 =	vld [tilespmem:s18+$0xA0];
	v59 =	vmul.f32 v22, v29;
	v28 =	vpop (erf)  }
0x1af: {  	v61 =	vor.u32 v0, v41;
	[tilespmem:v58+s14+$0x0] =	vst.idx.add.f32.msk $0xffff, v25;
	v30 =	vmul.f32 v28, v30  }
0x1b0: {  	v54 =	vor.u32 v3, v34;
	[tilespmem:v56+s14+$0x0] =	vst.idx.add.f32.msk $0xffff, v59  }
0x1b1: {  	v25 =	vpop (erf);
	[tilespmem:v60+s14+$0x0] =	vst.idx.add.f32.msk $0xffff, v30  }
0x1b2: {  	v47 =	vmul.f32 v25, v33;
	v62 =	vld [tilespmem:s18+$0xFFFFFF10]  }
0x1b3: {  	v53 =	vor.u32 v8, v24;
	v37 =	vmul.f32 v32, v49;
	v30 =	vld [tilespmem:s18+$0xFFFFFF90]  }
0x1b4: {  	v48 =	vor.u32 v2, v36;
	[tilespmem:v61+s14+$0x0] =	vst.idx.add.f32.msk $0xffff, v47  }
0x1b5: {  	v49 =	vor.u32 v2, v44;
	[tilespmem:v54+s14+$0x0] =	vst.idx.add.f32.msk $0xffff, v37  }
0x1b6: {  	v40 =	vmul.f32 v40, v23;
	v50 =	vld [tilespmem:s18+$0x10]  }
0x1b7: {  	v37 =	vld [tilespmem:s18+$0xB0];
	v51 =	vmul.f32 v22, v62  }
0x1b8: {  	v52 =	vor.u32 v2, v41;
	[tilespmem:v53+s14+$0x0] =	vst.idx.add.f32.msk $0xffff, v40;
	v30 =	vmul.f32 v28, v30  }
0x1b9: {  	v63 =	vor.u32 v4, v34;
	[tilespmem:v48+s14+$0x0] =	vst.idx.add.f32.msk $0xffff, v51  }
0x1ba: {  	[tilespmem:v49+s14+$0x0] =	vst.idx.add.f32.msk $0xffff, v30  }
0x1bb: {  	v20 =	vshll.u32 v20, $0x4;
	v55 =	vmul.f32 v25, v50;
	v33 =	vld [tilespmem:s18+$0xFFFFFF20]  }
0x1bc: {  	v20 =	vadd.s32 v9, v20;
	v37 =	vmul.f32 v32, v37;
	v30 =	vld [tilespmem:s18+$0xFFFFFFA0]  }
0x1bd: {  	v56 =	vor.u32 v3, v36;
	[tilespmem:v52+s14+$0x0] =	vst.idx.add.f32.msk $0xffff, v55  }
0x1be: {  	[tilespmem:v63+s14+$0x0] =	vst.idx.add.f32.msk $0xffff, v37  }
0x1bf: {  	v58 =	vor.u32 v3, v44;
	v42 =	vld [tilespmem:s18+$0x20]  }
0x1c0: {  	v37 =	vld [tilespmem:s18+$0xC0];
	v59 =	vmul.f32 v22, v33  }
0x1c1: {  	v60 =	vor.u32 v3, v41;
	[tilespmem:v20+s14+$0x0] =	vst.idx.add.f32.msk $0xffff, v23  }
0x1c2: {  	v30 =	vmul.f32 v28, v30;
	[tilespmem:v56+s14+$0x0] =	vst.idx.add.f32.msk $0xffff, v59  }
0x1c3: {  	v54 =	vor.u32 v5, v34;
	v24 =	vld [tilespmem:s18+$0xFFFFFF30]  }
0x1c4: {  	[tilespmem:v58+s14+$0x0] =	vst.idx.add.f32.msk $0xffff, v30;
	v61 =	vmul.f32 v25, v42  }
0x1c5: {  	v62 =	vor.u32 v4, v36;
	v57 =	vmul.f32 v37, v32;
	v37 =	vld [tilespmem:s18+$0xFFFFFFB0]  }
0x1c6: {  	[tilespmem:v60+s14+$0x0] =	vst.idx.add.f32.msk $0xffff, v61  }
0x1c7: {  	v63 =	vor.u32 v4, v44;
	v29 =	vld [tilespmem:s18+$0x30]  }
0x1c8: {  	[tilespmem:v54+s14+$0x0] =	vst.idx.add.f32.msk $0xffff, v57;
	v24 =	vmul.f32 v22, v24  }
0x1c9: {  	v42 =	vor.u32 v4, v41;
	v40 =	vld [tilespmem:s18+$0xD0]  }
0x1ca: {  	v45 =	vmul.f32 v28, v37;
	[tilespmem:v62+s14+$0x0] =	vst.idx.add.f32.msk $0xffff, v24  }
0x1cb: {  	v46 =	vor.u32 v6, v34;
	v33 =	vld [tilespmem:s18+$0xFFFFFF40]  }
0x1cc: {  	v29 =	vmul.f32 v25, v29;
	[tilespmem:v63+s14+$0x0] =	vst.idx.add.f32.msk $0xffff, v45  }
0x1cd: {  	v47 =	vor.u32 v5, v36;
	v30 =	vld [tilespmem:s18+$0xFFFFFFC0]  }
0x1ce: {  	v48 =	vmul.f32 v40, v32;
	[tilespmem:v42+s14+$0x0] =	vst.idx.add.f32.msk $0xffff, v29  }
0x1cf: {  	v49 =	vor.u32 v5, v44;
	v29 =	vld [tilespmem:s18+$0x40]  }
0x1d0: {  	[tilespmem:v46+s14+$0x0] =	vst.idx.add.f32.msk $0xffff, v48;
	v50 =	vmul.f32 v33, v22  }
0x1d1: {  	v52 =	vor.u32 v5, v41;
	v51 =	vld [tilespmem:s18+$0xE0]  }
0x1d2: {  	v53 =	vmul.f32 v30, v28;
	[tilespmem:v47+s14+$0x0] =	vst.idx.add.f32.msk $0xffff, v50  }
0x1d3: {  	v54 =	vor.u32 v7, v34;
	v55 =	vld [tilespmem:s18+$0xFFFFFF50]  }
0x1d4: {  	v29 =	vmul.f32 v29, v25;
	[tilespmem:v49+s14+$0x0] =	vst.idx.add.f32.msk $0xffff, v53  }
0x1d5: {  	v56 =	vor.u32 v6, v36;
	v23 =	vld [tilespmem:s18+$0xFFFFFFD0]  }
0x1d6: {  	v33 =	vmul.f32 v51, v32;
	[tilespmem:v52+s14+$0x0] =	vst.idx.add.f32.msk $0xffff, v29  }
0x1d7: {  	v57 =	vor.u32 v6, v44;
	v29 =	vld [tilespmem:s18+$0x50]  }
0x1d8: {  	[tilespmem:v54+s14+$0x0] =	vst.idx.add.f32.msk $0xffff, v33;
	v58 =	vmul.f32 v55, v22  }
0x1d9: {  	v60 =	vor.u32 v6, v41;
	v59 =	vld [tilespmem:s18+$0xF0]  }
0x1da: {  	v61 =	vmul.f32 v23, v28;
	[tilespmem:v56+s14+$0x0] =	vst.idx.add.f32.msk $0xffff, v58  }
0x1db: {  	v62 =	vor.u32 v8, v21;
	v63 =	vld [tilespmem:s18+$0xFFFFFF60]  }
0x1dc: {  	v40 =	vor.u32 v8, v34;
	v29 =	vmul.f32 v29, v25;
	[tilespmem:v57+s14+$0x0] =	vst.idx.add.f32.msk $0xffff, v61  }
0x1dd: {  	v42 =	vor.u32 v7, v36;
	v45 =	vld [tilespmem:s18+$0xFFFFFFE0]  }
0x1de: {  	v46 =	vmul.f32 v43, v26;
	[tilespmem:v60+s14+$0x0] =	vst.idx.add.f32.msk $0xffff, v29  }
0x1df: {  	v49 =	vor.u32 v7, v44;
	v47 =	vmul.f32 v59, v32;
	v48 =	vld [tilespmem:s18+$0x60]  }
0x1e0: {  	[tilespmem:v62+s14+$0x0] =	vst.idx.add.f32.msk $0xffff, v46;
	v50 =	vmul.f32 v63, v22  }
0x1e1: {  	v51 =	vor.u32 v7, v41;
	[tilespmem:v40+s14+$0x0] =	vst.idx.add.f32.msk $0xffff, v47  }
0x1e2: {  	v19 =	vshll.u32 v19, $0x4;
	v52 =	vmul.f32 v45, v28;
	[tilespmem:v42+s14+$0x0] =	vst.idx.add.f32.msk $0xffff, v50  }
0x1e3: {  	v19 =	vadd.s32 v9, v19;
	v53 =	vshll.u32 v27, $0x4;
	v54 =	vld [tilespmem:s18+$0xFFFFFF70]  }
0x1e4: {  	v21 =	vadd.s32 v9, v53;
	v55 =	vmul.f32 v48, v25;
	[tilespmem:v49+s14+$0x0] =	vst.idx.add.f32.msk $0xffff, v52  }
0x1e5: {  	v18 =	vshll.u32 v18, $0x4;
	v56 =	vor.u32 v8, v36;
	v57 =	vld [tilespmem:s18+$0xFFFFFFF0]  }
0x1e6: {  	v18 =	vadd.s32 v9, v18;
	[tilespmem:v51+s14+$0x0] =	vst.idx.add.f32.msk $0xffff, v55  }
0x1e7: {  	v58 =	vor.u32 v8, v44;
	v59 =	vshll.u32 v31, $0x4;
	v23 =	vld [tilespmem:s18+$0x70]  }
0x1e8: {  	v60 =	vadd.s32 v9, v59;
	[tilespmem:v19+s14+$0x0] =	vst.idx.add.f32.msk $0xffff, v32;
	v19 =	vmul.f32 v54, v22  }
0x1e9: {  	v62 =	vshll.u32 v35, $0x4;
	[tilespmem:v21+s14+$0x0] =	vst.idx.add.f32.msk $0xffff, v26;
	v61 =	vor.u32 v8, v41  }
0x1ea: {  	v63 =	vadd.s32 v9, v62;
	[tilespmem:v56+s14+$0x0] =	vst.idx.add.f32.msk $0xffff, v19;
	v19 =	vmul.f32 v57, v28  }
.Ltmp7:
0x1eb: {  	[tilespmem:v18+s14+$0x0] =	vst.idx.add.f32.msk $0xffff, v22;
	(pc) =	sbr.rel .LBB2_8-.Ltmp7, $4  }
0x1ec: {  	v18 =	vmul.f32 v23, v25;
	[tilespmem:v58+s14+$0x0] =	vst.idx.add.f32.msk $0xffff, v19  }
0x1ed: {  	[tilespmem:v60+s14+$0x0] =	vst.idx.add.f32.msk $0xffff, v28  }
0x1ee: {  	[tilespmem:v61+s14+$0x0] =	vst.idx.add.f32.msk $0xffff, v18  }
0x1ef: {  	[tilespmem:v63+s14+$0x0] =	vst.idx.add.f32.msk $0xffff, v25  }
.LBB2_9:
.Ltmp8:
0x1f0: {  	(pc) =	sbr.rel @p0 .LBB2_13-.Ltmp8, $1  }
0x1f1: {  	_ =	sdelay $0x3  }
0x1f2: {  	s16 =	simm.s32 $0x0  }
0x1f3: {  	[tilespmem:s16], [sflag:$0x1] =	stream.linear.gather [hbm4b:s7+s16], $0x1000, $0x38;
	[tilespmem:$0x18100] =	vst v63  }
0x1f4: {  	_ =	swait.ge [sflag:s12], $0x1000  }
0x1f5: {  	[sflag:s12] =	ssyncset.done $0x0  }
0x1f6: {  	[sflag:s12] =	ssyncadd.s32 $0xFFFFF000  }
0x1f7: {  	[tilespmem:s13], [sflag:$0x1] =	stream.linear.gather [hbm4b:s8+s16], $0x20, $0x38;
	[tilespmem:$0x18100] =	vst v63  }
0x1f8: {  	_ =	swait.ge [sflag:s12], $0x20  }
0x1f9: {  	[sflag:s12] =	ssyncset.done $0x0  }
0x1fa: {  	s17 =	simm.s32 $0x100;
	[sflag:s12] =	ssyncadd.s32 $0xFFFFFFE0  }
0x1fb: {  	v19 =	vld [tilespmem:s17+$0x80]  }
0x1fc: {  	v18 =	vld [tilespmem:s17+$0x90];
	_ =	sdelay $0x1  }
0x1fd: {  	v20 =	vld [tilespmem:s17+$0xA0];
	_ =	sdelay $0x1  }
0x1fe: {  	v21 =	vld [tilespmem:s17+$0xB0]  }
0x1ff: {  	v22 =	vmul.f32 v19, v17;
	v18 =	vmul.f32 v18, v16  }
0x200: {  	v23 =	vld [tilespmem:s17+$0xC0]  }
0x201: {  	v20 =	vmul.f32 v20, v15;
	v18 =	vadd.f32 v18, v22  }
0x202: {  	v22 =	vld [tilespmem:s17+$0xD0]  }
0x203: {  	v18 =	vadd.f32 v20, v18;
	v20 =	vmul.f32 v21, v14  }
0x204: {  	v21 =	vld [tilespmem:s17+$0xE0]  }
0x205: {  	v18 =	vadd.f32 v20, v18;
	v20 =	vmul.f32 v23, v13  }
0x206: {  	v23 =	vld [tilespmem:s17+$0xF0]  }
0x207: {  	v18 =	vadd.f32 v20, v18;
	v20 =	vmul.f32 v22, v12  }
0x208: {  	v24 =	vld [tilespmem:s17+$0xFFFFFF00]  }
0x209: {  	v25 =	vld [tilespmem:s17+$0xFFFFFF90];
	v21 =	vmul.f32 v21, v11;
	v20 =	vadd.f32 v20, v18  }
0x20a: {  	v26 =	vld [tilespmem:s17+$0xFFFFFF20]  }
0x20b: {  	v27 =	vld [tilespmem:s17+$0x20];
	v23 =	vmul.f32 v23, v10;
	v21 =	vadd.f32 v21, v20  }
0x20c: {  	v28 =	vld [tilespmem:s17+$0xFFFFFF30]  }
0x20d: {  	v29 =	vld [tilespmem:s17+$0xFFFFFFB0];
	v21 =	vadd.f32 v23, v21  }
0x20e: {  	v22 =	vld [tilespmem:s17+$0xFFFFFF10]  }
0x20f: {  	v18 =	vld [tilespmem:s17+$0xFFFFFF80];
	(xrf2) =	vadd.scan.msk.f32 $0xffff, v21  }
0x210: {  	v20 =	vld [tilespmem:s17+$0x0]  }
0x211: {  	v23 =	vld [tilespmem:s17+$0x10]  }
0x212: {  	v21 =	vld [tilespmem:s17+$0xFFFFFFA0]  }
0x213: {  	v31 =	vld [tilespmem:s17+$0x30];
	v30 =	vmul.f32 v24, v17;
	v22 =	vmul.f32 v22, v16  }
0x214: {  	s18 =	simm.s32 $0x3;
	v33 =	vld [tilespmem:s17+$0xFFFFFF40];
	v25 =	vmul.f32 v25, v16;
	v32 =	vmul.f32 v18, v17  }
0x215: {  	v37 =	vmov s18;
	v58 =	vld [tilespmem:s17+$0xFFFFFF50];
	v26 =	vmul.f32 v26, v15;
	v22 =	vadd.f32 v22, v30  }
0x216: {  	v36 =	vld [tilespmem:s17+$0xFFFFFF60];
	v34 =	vmul.f32 v20, v17;
	v25 =	vadd.f32 v25, v32;
	v23 =	vmul.f32 v23, v16  }
0x217: {  	v30 =	vld [tilespmem:s17+$0x40];
	v22 =	vadd.f32 v26, v22;
	v26 =	vmul.f32 v28, v14;
	v21 =	vmul.f32 v21, v15  }
0x218: {  	v35 =	vld [tilespmem:s17+$0xFFFFFFC0];
	v27 =	vmul.f32 v27, v15;
	v29 =	vmul.f32 v29, v14;
	v23 =	vadd.f32 v23, v34  }
0x219: {  	v28 =	vld [tilespmem:s17+$0xFFFFFFD0];
	v22 =	vadd.f32 v26, v22;
	v21 =	vadd.f32 v21, v25;
	v25 =	vmul.f32 v33, v13;
	v59, _, _ =	vpop (xrf2)  }
0x21a: {  	v31 =	vmul.f32 v31, v14;
	v23 =	vadd.f32 v27, v23;
	v27 =	vld [tilespmem:s17+$0xFFFFFF70];
	v34 =	vmul.f32 $1.442695020e+00, v59  }
0x21b: {  	v62 =	vmul.f32 v36, v11;
	v32 =	vmul.f32 v58, v12;
	v26 =	vld [tilespmem:s17+$0x50];
	v22 =	vadd.f32 v25, v22  }
0x21c: {  	v30 =	vmul.f32 v30, v13;
	v25 =	vld [tilespmem:s17+$0xFFFFFFE0];
	v60 =	vbroadcast v34, $0xF  }
0x21d: {  	v61 =	vld [tilespmem:s17+$0xFFFFFFF0];
	v21 =	vadd.f32 v29, v21;
	v29 =	vmul.f32 v35, v13;
	v32 =	vadd.f32 v32, v22  }
0x21e: {  	v28 =	vmul.f32 v28, v12;
	v23 =	vadd.f32 v31, v23;
	v22 =	vld.idx.msk [tilespmem:v37+s13+$0x0], $0xffff;
	(erf) = vpow2.f32 v60  }
0x21f: {  	v21 =	vadd.f32 v29, v21;
	v29 =	vld [tilespmem:s17+$0x60];
	v27 =	vmul.f32 v27, v10;
	v31 =	vadd.f32 v62, v32  }
0x220: {  	v26 =	vmul.f32 v26, v12;
	v23 =	vadd.f32 v30, v23  }
0x221: {  	v21 =	vadd.f32 v28, v21;
	v28 =	vld [tilespmem:s17+$0x70];
	v25 =	vmul.f32 v25, v11;
	v27 =	vadd.f32 v27, v31;
	_ =	sdelay $0x1  }
0x222: {  	v23 =	vadd.f32 v26, v23;
	v21 =	vadd.f32 v25, v21;
	(xrf2) =	vadd.scan.msk.f32 $0xffff, v27  }
0x223: {  	v25 =	vmul.f32 v61, v10;
	v30 =	vshll.u32 v22, $0x7;
	v26 =	vmul.f32 v29, v11  }
0x224: {  	v27 =	vor.u32 v0, v30  }
0x225: {  	v21 =	vadd.f32 v25, v21;
	v23 =	vadd.f32 v26, v23;
	v25 =	vmul.f32 v28, v10  }
0x226: {  	v28 =	vpop (erf)  }
0x227: {  	(xrf2) =	vadd.scan.msk.f32 $0xffff, v21;
	v21 =	vadd.f32 v25, v23;
	v19 =	vmul.f32 v28, v19;
	_ =	sdelay $0x1  }
0x228: {  	(xrf2) =	vadd.scan.msk.f32 $0xffff, v21;
	[tilespmem:v27+s14+$0x0] =	vst.idx.add.f32.msk $0xffff, v19  }
0x229: {  	v19 =	vld [tilespmem:s17+$0x90];
	_ =	sdelay $0x1  }
0x22a: {  	v23 =	vor.u32 v2, v30;
	v21 =	vmov s16;
	v25, _, _ =	vpop (xrf2)  }
0x22b: {  	v21 =	vand.u32 $0xFFFFFFFC, v21;
	v25 =	vmul.f32 $1.442695020e+00, v25  }
0x22c: {  	s25 =	simm.s32 $0x1;
	v21 =	vbroadcast v21, $0x0  }
0x22d: {  	s26 =	simm.s32 $0x2;
	v26 =	vmov s25;
	v25 =	vbroadcast v25, $0xF;
	v19 =	vmul.f32 v28, v19  }
0x22e: {  	v26 =	vand.u32 $0xFFFFFFFD, v26;
	v27 =	vmov s26  }
0x22f: {  	v26 =	vbroadcast v26, $0x0;
	v27 =	vand.u32 $0xFFFFFFFE, v27;
	[tilespmem:v23+s14+$0x0] =	vst.idx.add.f32.msk $0xffff, v19  }
0x230: {  	v29, _, _ =	vpop (xrf2);
	v19 =	vbroadcast v27, $0x0;
	v27 =	vld [tilespmem:s17+$0xA0]  }
0x231: {  	(erf) = vpow2.f32 v25;
	v25, _, _ =	vpop (xrf2);
	v23 =	vmul.f32 $1.442695020e+00, v29  }
0x232: {  	v21 =	vld.idx.msk [tilespmem:v21+s13+$0x0], $0xffff;
	v29 =	vor.u32 v3, v30;
	v25 =	vmul.f32 $1.442695020e+00, v25  }
0x233: {  	v23 =	vbroadcast v23, $0xF  }
0x234: {  	v25 =	vbroadcast v25, $0xF  }
0x235: {  	v31 =	vld.idx.msk [tilespmem:v26+s13+$0x0], $0xffff;
	(erf) = vpow2.f32 v23;
	v26 =	vmul.f32 v28, v27  }
0x236: {  	v19 =	vld.idx.msk [tilespmem:v19+s13+$0x0], $0xffff  }
0x237: {  	v23 =	vshll.u32 v21, $0x7;
	(erf) = vpow2.f32 v25;
	[tilespmem:v29+s14+$0x0] =	vst.idx.add.f32.msk $0xffff, v26  }
0x238: {  	v25 =	vor.u32 v0, v23;
	v27 =	vld [tilespmem:s17+$0xB0];
	_ =	sdelay $0x1  }
0x239: {  	v63 =	vor.u32 v4, v30;
	v26 =	vpop (erf)  }
0x23a: {  	s16 =	simm.s32 $0x300;
	v33 =	vshll.u32 v31, $0x7;
	v24 =	vmul.f32 v26, v24  }
0x23b: {  	v50 =	vld [tilespmem:s16+$0xA0];
	v40 =	vor.u32 v0, v33  }
0x23c: {  	v29 =	vshll.u32 v19, $0x7;
	[tilespmem:v25+s14+$0x0] =	vst.idx.add.f32.msk $0xffff, v24;
	v24 =	vmul.f32 v28, v27  }
0x23d: {  	v32 =	vpop (erf);
	v25 =	vld [tilespmem:s17+$0xFFFFFF10];
	v27 =	vor.u32 v0, v29  }
0x23e: {  	v41 =	vmul.f32 v32, v18;
	[tilespmem:v63+s14+$0x0] =	vst.idx.add.f32.msk $0xffff, v24  }
0x23f: {  	v18 =	vpop (erf);
	v24 =	vor.u32 v2, v23;
	v34 =	vld [tilespmem:s17+$0xC0]  }
0x240: {  	v20 =	vmul.f32 v18, v20;
	[tilespmem:v40+s14+$0x0] =	vst.idx.add.f32.msk $0xffff, v41  }
0x241: {  	v42 =	vor.u32 v5, v30;
	v35 =	vld [tilespmem:s17+$0xFFFFFF90]  }
0x242: {  	v25 =	vmul.f32 v26, v25;
	[tilespmem:v27+s14+$0x0] =	vst.idx.add.f32.msk $0xffff, v20  }
0x243: {  	v20 =	vor.u32 v2, v33;
	v27 =	vld [tilespmem:s17+$0x10]  }
0x244: {  	[tilespmem:v24+s14+$0x0] =	vst.idx.add.f32.msk $0xffff, v25;
	v24 =	vmul.f32 v34, v28  }
0x245: {  	v25 =	vor.u32 v2, v29;
	v43 =	vld [tilespmem:s17+$0xFFFFFF20]  }
0x246: {  	v35 =	vmul.f32 v32, v35;
	[tilespmem:v42+s14+$0x0] =	vst.idx.add.f32.msk $0xffff, v24  }
0x247: {  	v24 =	vor.u32 v3, v23;
	v36 =	vld [tilespmem:s17+$0xD0]  }
0x248: {  	[tilespmem:v20+s14+$0x0] =	vst.idx.add.f32.msk $0xffff, v35;
	v20 =	vmul.f32 v18, v27  }
0x249: {  	v44 =	vor.u32 v6, v30;
	v27 =	vld [tilespmem:s17+$0xFFFFFFA0]  }
0x24a: {  	[tilespmem:v25+s14+$0x0] =	vst.idx.add.f32.msk $0xffff, v20;
	v20 =	vmul.f32 v26, v43  }
0x24b: {  	v25 =	vor.u32 v3, v33;
	v45 =	vld [tilespmem:s17+$0x20]  }
0x24c: {  	[tilespmem:v24+s14+$0x0] =	vst.idx.add.f32.msk $0xffff, v20;
	v20 =	vmul.f32 v36, v28  }
0x24d: {  	v24 =	vor.u32 v3, v29;
	v46 =	vld [tilespmem:s17+$0xFFFFFF30]  }
0x24e: {  	v27 =	vmul.f32 v32, v27;
	[tilespmem:v44+s14+$0x0] =	vst.idx.add.f32.msk $0xffff, v20  }
0x24f: {  	v20 =	vor.u32 v4, v23;
	v35 =	vld [tilespmem:s17+$0xE0]  }
0x250: {  	[tilespmem:v25+s14+$0x0] =	vst.idx.add.f32.msk $0xffff, v27;
	v25 =	vmul.f32 v18, v45  }
0x251: {  	v47 =	vor.u32 v7, v30;
	v27 =	vld [tilespmem:s17+$0xFFFFFFB0]  }
0x252: {  	[tilespmem:v24+s14+$0x0] =	vst.idx.add.f32.msk $0xffff, v25;
	v24 =	vmul.f32 v26, v46  }
0x253: {  	v51 =	vld [tilespmem:s16+$0xB0];
	v48 =	vor.u32 v4, v33  }
0x254: {  	[tilespmem:v20+s14+$0x0] =	vst.idx.add.f32.msk $0xffff, v24;
	v20 =	vmul.f32 v35, v28  }
0x255: {  	v38 =	vld [tilespmem:s16+$0xD0]  }
0x256: {  	v27 =	vmul.f32 v32, v27;
	[tilespmem:v47+s14+$0x0] =	vst.idx.add.f32.msk $0xffff, v20  }
0x257: {  	v49 =	vld [tilespmem:s17+$0xF0]  }
0x258: {  	[tilespmem:v48+s14+$0x0] =	vst.idx.add.f32.msk $0xffff, v27  }
0x259: {  	v22 =	vshll.u32 v22, $0x4;
	v20 =	vld [tilespmem:s16+$0x80];
	v27 =	vor.u32 v8, v30  }
0x25a: {  	v22 =	vadd.s32 v9, v22;
	v30 =	vld [tilespmem:s16+$0x90]  }
0x25b: {  	v52 =	vld [tilespmem:s16+$0xE0]  }
0x25c: {  	v39 =	vld [tilespmem:s16+$0xFFFFFF90];
	v35 =	vmul.f32 v49, v28  }
0x25d: {  	v53 =	vld [tilespmem:s16+$0x10]  }
0x25e: {  	[tilespmem:v27+s14+$0x0] =	vst.idx.add.f32.msk $0xffff, v35  }
0x25f: {  	v30 =	vmul.f32 v30, v16;
	v27 =	vmul.f32 v20, v17;
	[tilespmem:v22+s14+$0x0] =	vst.idx.add.f32.msk $0xffff, v28  }
0x260: {  	v22 =	vld [tilespmem:s16+$0xC0]  }
0x261: {  	v54 =	vld [tilespmem:s16+$0xFFFFFFA0];
	v27 =	vadd.f32 v30, v27;
	v30 =	vmul.f32 v50, v15  }
0x262: {  	v56 =	vld [tilespmem:s16+$0xFFFFFFC0]  }
0x263: {  	v57 =	vld [tilespmem:s16+$0x40];
	v27 =	vadd.f32 v30, v27;
	v30 =	vmul.f32 v51, v14  }
0x264: {  	v40 =	vld [tilespmem:s16+$0xFFFFFF20]  }
0x265: {  	v41 =	vld [tilespmem:s16+$0x20];
	v27 =	vadd.f32 v30, v27;
	v22 =	vmul.f32 v22, v13  }
0x266: {  	v30 =	vld [tilespmem:s16+$0xF0]  }
0x267: {  	v34 =	vld [tilespmem:s16+$0xFFFFFF00];
	v22 =	vadd.f32 v22, v27;
	v27 =	vmul.f32 v38, v12  }
0x268: {  	v43 =	vld [tilespmem:s16+$0xFFFFFFB0]  }
0x269: {  	v36 =	vld [tilespmem:s16+$0xFFFFFF80];
	v22 =	vadd.f32 v27, v22;
	v27 =	vmul.f32 v52, v11  }
0x26a: {  	v44 =	vld [tilespmem:s16+$0x30]  }
0x26b: {  	v28 =	vld [tilespmem:s16+$0xFFFFFF10];
	v22 =	vadd.f32 v27, v22;
	v27 =	vmul.f32 v30, v10  }
0x26c: {  	v25 =	vld [tilespmem:s17+$0x30]  }
0x26d: {  	v39 =	vmul.f32 v39, v16;
	v37 =	vmul.f32 v54, v15;
	v35 =	vld [tilespmem:s16+$0x0];
	v22 =	vadd.f32 v27, v22  }
0x26e: {  	s28 =	simm.s32 $0x4;
	v55 =	vmul.f32 v40, v15;
	v41 =	vmul.f32 v41, v15;
	v24 =	vld [tilespmem:s17+$0xFFFFFF40]  }
0x26f: {  	v60 =	vmov s28;
	v40 =	vmul.f32 v56, v13;
	v42 =	vmul.f32 v34, v17;
	v30 =	vld [tilespmem:s16+$0xFFFFFF30];
	(xrf2) =	vadd.scan.msk.f32 $0xffff, v22  }
0x270: {  	v61 =	vand.u32 $0xFFFFFFFC, v60;
	v58 =	vld [tilespmem:s16+$0xFFFFFF50];
	v43 =	vmul.f32 v43, v14;
	v27 =	vmul.f32 v28, v16  }
0x271: {  	v46 =	vld [tilespmem:s16+$0xFFFFFF40];
	v62 =	vmul.f32 v44, v14;
	v47 =	vor.u32 v4, v29;
	v28 =	vmul.f32 v36, v17  }
0x272: {  	v59 =	vld [tilespmem:s16+$0xFFFFFFD0];
	v45 =	vmul.f32 v35, v17;
	v22 =	vadd.f32 v27, v42;
	v27 =	vmul.f32 v53, v16  }
0x273: {  	v63 =	vld [tilespmem:s16+$0xFFFFFF60];
	v25 =	vmul.f32 v18, v25;
	v24 =	vmul.f32 v24, v26;
	v28 =	vadd.f32 v39, v28  }
0x274: {  	v52 =	vld [tilespmem:s16+$0xFFFFFFE0];
	v30 =	vmul.f32 v30, v14;
	v27 =	vadd.f32 v27, v45;
	v22 =	vadd.f32 v55, v22  }
0x275: {  	v54 =	vld [tilespmem:s16+$0xFFFFFF70];
	v38 =	vmul.f32 v58, v12;
	v42 =	vor.u32 v5, v23;
	v28 =	vadd.f32 v37, v28  }
0x276: {  	s29 =	simm.s32 $0x7;
	v45 =	vld [tilespmem:s16+$0x50];
	v27 =	vadd.f32 v41, v27;
	v22 =	vadd.f32 v30, v22;
	v30 =	vmul.f32 v46, v13  }
0x277: {  	[tilespmem:v47+s14+$0x0] =	vst.idx.add.f32.msk $0xffff, v25;
	v37 =	vmul.f32 v59, v12;
	v55 =	vmov s29;
	v28 =	vadd.f32 v43, v28  }
0x278: {  	v53 =	vld [tilespmem:s16+$0x60];
	v27 =	vadd.f32 v62, v27;
	v22 =	vadd.f32 v30, v22;
	v30 =	vmul.f32 v57, v13  }
0x279: {  	v59 =	vmul.f32 v52, v11;
	v52 =	vor.u32 v5, v29;
	v57 =	vmul.f32 v63, v11;
	v63 =	vld [tilespmem:s17+$0x40];
	v48, _, _ =	vpop (xrf2)  }
0x27a: {  	v28 =	vadd.f32 v40, v28;
	v25 =	vadd.f32 v30, v27;
	v30 =	vld [tilespmem:s16+$0xFFFFFFF0];
	v56 =	vmul.f32 $1.442695020e+00, v48  }
0x27b: {  	v41 =	vbroadcast v61, $0x0;
	v61 =	vld [tilespmem:s17+$0xFFFFFFC0];
	v45 =	vmul.f32 v45, v12;
	v22 =	vadd.f32 v38, v22  }
0x27c: {  	[tilespmem:v42+s14+$0x0] =	vst.idx.add.f32.msk $0xffff, v24;
	v62 =	vmul.f32 v54, v10;
	v28 =	vadd.f32 v37, v28;
	v60 =	vbroadcast v56, $0xF  }
0x27d: {  	v58 =	vld [tilespmem:s16+$0x70];
	v22 =	vadd.f32 v57, v22;
	v24 =	vadd.f32 v45, v25;
	v25 =	vmul.f32 v53, v11  }
0x27e: {  	v27 =	vor.u32 v5, v33;
	v53 =	vld [tilespmem:s17+$0xFFFFFF50];
	v39 =	vmul.f32 v63, v18;
	(erf) = vpow2.f32 v60  }
0x27f: {  	v37 =	vld.idx.msk [tilespmem:v55+s13+$0x0], $0xffff;
	v28 =	vadd.f32 v59, v28;
	v22 =	vadd.f32 v62, v22;
	v30 =	vmul.f32 v30, v10  }
0x280: {  	v55 =	vor.u32 v6, v23;
	[tilespmem:v52+s14+$0x0] =	vst.idx.add.f32.msk $0xffff, v39  }
0x281: {  	s30 =	simm.s32 $0x5;
	(xrf2) =	vadd.scan.msk.f32 $0xffff, v22;
	v22 =	vld.idx.msk [tilespmem:v41+s13+$0x0], $0xffff;
	v28 =	vadd.f32 v30, v28;
	v30 =	vmul.f32 v61, v32  }
0x282: {  	v54 =	vmov s30;
	v24 =	vadd.f32 v25, v24;
	v25 =	vmul.f32 v58, v10;
	v58 =	vld [tilespmem:s17+$0x50]  }
0x283: {  	v38 =	vand.u32 $0xFFFFFFFD, v54;
	[tilespmem:v27+s14+$0x0] =	vst.idx.add.f32.msk $0xffff, v30;
	(xrf2) =	vadd.scan.msk.f32 $0xffff, v28;
	v28 =	vmul.f32 v53, v26  }
0x284: {  	v59 =	vor.u32 v6, v29;
	v56 =	vbroadcast v38, $0x0;
	v38 =	vshll.u32 v37, $0x7;
	v57 =	vld [tilespmem:s17+$0xFFFFFFD0]  }
0x285: {  	v27 =	vor.u32 v0, v38;
	[tilespmem:v55+s14+$0x0] =	vst.idx.add.f32.msk $0xffff, v28  }
0x286: {  	v41 =	vld [tilespmem:s17+$0xFFFFFF60]  }
0x287: {  	v24 =	vadd.f32 v25, v24;
	v25 =	vor.u32 v6, v33;
	v40 =	vmul.f32 v58, v18;
	v30 =	vpop (erf)  }
0x288: {  	v60 =	vor.u32 v7, v23;
	v28 =	vmul.f32 v30, v20  }
0x289: {  	(xrf2) =	vadd.scan.msk.f32 $0xffff, v24;
	[tilespmem:v59+s14+$0x0] =	vst.idx.add.f32.msk $0xffff, v40  }
0x28a: {  	v24 =	vmul.f32 v57, v32;
	[tilespmem:v27+s14+$0x0] =	vst.idx.add.f32.msk $0xffff, v28  }
0x28b: {  	s31 =	simm.s32 $0x6;
	v41 =	vmul.f32 v41, v26;
	v27 =	vld [tilespmem:s16+$0x90]  }
0x28c: {  	v61 =	vmov s31;
	[tilespmem:v25+s14+$0x0] =	vst.idx.add.f32.msk $0xffff, v24;
	v28, _, _ =	vpop (xrf2)  }
0x28d: {  	v24 =	vand.u32 $0xFFFFFFFE, v61;
	v25 =	vor.u32 v2, v38;
	[tilespmem:v60+s14+$0x0] =	vst.idx.add.f32.msk $0xffff, v41;
	v28 =	vmul.f32 $1.442695020e+00, v28  }
0x28e: {  	v24 =	vbroadcast v24, $0x0;
	v49 =	vld [tilespmem:s17+$0xFFFFFF70];
	v62, _, _ =	vpop (xrf2)  }
0x28f: {  	v43 =	vld [tilespmem:s17+$0x60];
	v40 =	vmul.f32 $1.442695020e+00, v62;
	v28 =	vbroadcast v28, $0xF  }
0x290: {  	v21 =	vshll.u32 v21, $0x4;
	v23 =	vor.u32 v8, v23;
	v63 =	vld [tilespmem:s17+$0xFFFFFFE0];
	v27 =	vmul.f32 v30, v27  }
0x291: {  	v58 =	vadd.s32 v9, v21;
	v20 =	vld.idx.msk [tilespmem:v56+s13+$0x0], $0xffff;
	v48 =	vbroadcast v40, $0xF;
	(erf) = vpow2.f32 v28  }
0x292: {  	v28 =	vor.u32 v7, v33;
	[tilespmem:v25+s14+$0x0] =	vst.idx.add.f32.msk $0xffff, v27  }
0x293: {  	v50 =	vor.u32 v7, v29;
	v54 =	vmul.f32 v49, v26;
	v25, _, _ =	vpop (xrf2);
	(erf) = vpow2.f32 v48;
	v51 =	vld [tilespmem:s16+$0xA0]  }
0x294: {  	v27 =	vld.idx.msk [tilespmem:v24+s13+$0x0], $0xffff;
	v25 =	vmul.f32 $1.442695020e+00, v25  }
0x295: {  	v53 =	vor.u32 v3, v38;
	v52 =	vmul.f32 v63, v32;
	[tilespmem:v23+s14+$0x0] =	vst.idx.add.f32.msk $0xffff, v54  }
0x296: {  	v24 =	vmul.f32 v43, v18;
	[tilespmem:v58+s14+$0x0] =	vst.idx.add.f32.msk $0xffff, v26;
	v25 =	vbroadcast v25, $0xF  }
0x297: {  	[tilespmem:v28+s14+$0x0] =	vst.idx.add.f32.msk $0xffff, v52;
	v28 =	vshll.u32 v22, $0x7  }
0x298: {  	[tilespmem:v50+s14+$0x0] =	vst.idx.add.f32.msk $0xffff, v24;
	v55 =	vor.u32 v0, v28;
	(erf) = vpow2.f32 v25;
	v57 =	vmul.f32 v30, v51  }
0x299: {  	v24 =	vshll.u32 v20, $0x7;
	v56 =	vld [tilespmem:s17+$0xFFFFFFF0]  }
0x29a: {  	v59 =	vor.u32 v0, v24;
	v25 =	vpop (erf);
	[tilespmem:v53+s14+$0x0] =	vst.idx.add.f32.msk $0xffff, v57  }
0x29b: {  	v21 =	vmul.f32 v25, v34;
	v42 =	vld [tilespmem:s16+$0xB0]  }
0x29c: {  	v33 =	vor.u32 v8, v33;
	v44 =	vld [tilespmem:s17+$0x70];
	v23 =	vpop (erf)  }
0x29d: {  	v60 =	vor.u32 v4, v38;
	v36 =	vmul.f32 v23, v36;
	[tilespmem:v55+s14+$0x0] =	vst.idx.add.f32.msk $0xffff, v21  }
0x29e: {  	v21 =	vshll.u32 v27, $0x7;
	v40 =	vld [tilespmem:s16+$0xFFFFFF10]  }
0x29f: {  	v61 =	vmul.f32 v56, v32;
	[tilespmem:v59+s14+$0x0] =	vst.idx.add.f32.msk $0xffff, v36;
	v62 =	vor.u32 v0, v21  }
0x2a0: {  	v36 =	vld [tilespmem:s16+$0xFFFFFF90];
	v63 =	vmul.f32 v30, v42  }
0x2a1: {  	v45 =	vor.u32 v2, v28;
	[tilespmem:v33+s14+$0x0] =	vst.idx.add.f32.msk $0xffff, v61;
	v26 =	vpop (erf)  }
0x2a2: {  	v47 =	vor.u32 v2, v24;
	v46 =	vmul.f32 v26, v35;
	[tilespmem:v60+s14+$0x0] =	vst.idx.add.f32.msk $0xffff, v63  }
0x2a3: {  	v48 =	vld [tilespmem:s16+$0xC0]  }
0x2a4: {  	v40 =	vmul.f32 v25, v40;
	[tilespmem:v62+s14+$0x0] =	vst.idx.add.f32.msk $0xffff, v46  }
0x2a5: {  	v50 =	vor.u32 v5, v38;
	v49 =	vmul.f32 v23, v36;
	v34 =	vld [tilespmem:s16+$0x10]  }
0x2a6: {  	v31 =	vshll.u32 v31, $0x4;
	[tilespmem:v45+s14+$0x0] =	vst.idx.add.f32.msk $0xffff, v40  }
0x2a7: {  	v31 =	vadd.s32 v9, v31;
	[tilespmem:v47+s14+$0x0] =	vst.idx.add.f32.msk $0xffff, v49  }
0x2a8: {  	v51 =	vor.u32 v2, v21;
	v52 =	vld [tilespmem:s16+$0xFFFFFF20];
	v39 =	vmul.f32 v48, v30  }
0x2a9: {  	v53 =	vld [tilespmem:s16+$0xFFFFFFA0]  }
0x2aa: {  	v54 =	vor.u32 v3, v28;
	[tilespmem:v50+s14+$0x0] =	vst.idx.add.f32.msk $0xffff, v39  }
0x2ab: {  	v55 =	vor.u32 v3, v24;
	v34 =	vmul.f32 v26, v34;
	v39 =	vld [tilespmem:s16+$0xD0]  }
0x2ac: {  	[tilespmem:v31+s14+$0x0] =	vst.idx.add.f32.msk $0xffff, v32  }
0x2ad: {  	v57 =	vor.u32 v6, v38;
	[tilespmem:v51+s14+$0x0] =	vst.idx.add.f32.msk $0xffff, v34;
	v56 =	vmul.f32 v25, v52  }
0x2ae: {  	v34 =	vld [tilespmem:s16+$0x20];
	v40 =	vmul.f32 v23, v53  }
0x2af: {  	[tilespmem:v54+s14+$0x0] =	vst.idx.add.f32.msk $0xffff, v56  }
0x2b0: {  	v31 =	vor.u32 v3, v21;
	[tilespmem:v55+s14+$0x0] =	vst.idx.add.f32.msk $0xffff, v40;
	v58 =	vmul.f32 v39, v30  }
0x2b1: {  	v33 =	vld [tilespmem:s16+$0xFFFFFF30]  }
0x2b2: {  	v29 =	vor.u32 v8, v29;
	[tilespmem:v57+s14+$0x0] =	vst.idx.add.f32.msk $0xffff, v58  }
0x2b3: {  	v59 =	vor.u32 v4, v28;
	v34 =	vmul.f32 v26, v34;
	v35 =	vld [tilespmem:s16+$0xE0]  }
0x2b4: {  	v60 =	vld [tilespmem:s16+$0xFFFFFFB0]  }
0x2b5: {  	v61 =	vor.u32 v7, v38;
	[tilespmem:v31+s14+$0x0] =	vst.idx.add.f32.msk $0xffff, v34;
	v31 =	vmul.f32 v44, v18  }
0x2b6: {  	v33 =	vmul.f32 v25, v33;
	v62 =	vld [tilespmem:s16+$0x30]  }
0x2b7: {  	[tilespmem:v29+s14+$0x0] =	vst.idx.add.f32.msk $0xffff, v31  }
0x2b8: {  	v63 =	vor.u32 v4, v24;
	[tilespmem:v59+s14+$0x0] =	vst.idx.add.f32.msk $0xffff, v33;
	v29 =	vmul.f32 v35, v30  }
0x2b9: {  	v32 =	vld [tilespmem:s16+$0xFFFFFF40]  }
0x2ba: {  	[tilespmem:v61+s14+$0x0] =	vst.idx.add.f32.msk $0xffff, v29  }
0x2bb: {  	s17 =	simm.s32 $0x500;
	v31 =	vmul.f32 v23, v60;
	v33 =	vld [tilespmem:s16+$0xF0]  }
0x2bc: {  	v34 =	vld [tilespmem:s17+$0x90]  }
0x2bd: {  	[tilespmem:v63+s14+$0x0] =	vst.idx.add.f32.msk $0xffff, v31;
	v29 =	vshll.u32 v37, $0x4;
	v37 =	vor.u32 v8, v38  }
0x2be: {  	v31 =	vld [tilespmem:s17+$0x80];
	v36 =	vadd.s32 v9, v29  }
0x2bf: {  	s19 =	simm.s32 $0xC;
	s18 =	simm.s32 $0x8;
	v35 =	vmul.f32 v26, v62;
	v32 =	vmul.f32 v32, v25;
	v29 =	vld [tilespmem:s17+$0xFFFFFF00]  }
.LBB2_11:
0x2c0: {  	p1 =	slt.u32 s19, $0x1C;
	v38 =	vld [tilespmem:s17+$0xA0];
	v33 =	vmul.f32 v33, v30  }
0x2c1: {  	v39 =	vld [tilespmem:s17+$0xB0]  }
0x2c2: {  	[tilespmem:v37+s14+$0x0] =	vst.idx.add.f32.msk $0xffff, v33  }
0x2c3: {  	v33 =	vmul.f32 v31, v17;
	v34 =	vmul.f32 v34, v16;
	[tilespmem:v36+s14+$0x0] =	vst.idx.add.f32.msk $0xffff, v30  }
0x2c4: {  	v30 =	vmul.f32 v29, v17;
	v36 =	vld [tilespmem:s17+$0xC0]  }
0x2c5: {  	v37 =	vld [tilespmem:s17+$0xFFFFFF10];
	v34 =	vadd.f32 v34, v33;
	v38 =	vmul.f32 v38, v15  }
0x2c6: {  	v40 =	vld [tilespmem:s17+$0xD0]  }
0x2c7: {  	v33 =	vld [tilespmem:s17+$0xFFFFFF80];
	v34 =	vadd.f32 v38, v34;
	v38 =	vmul.f32 v39, v14  }
0x2c8: {  	v39 =	vld [tilespmem:s17+$0xE0]  }
0x2c9: {  	v41 =	vld [tilespmem:s17+$0xFFFFFF90];
	v38 =	vadd.f32 v38, v34;
	v36 =	vmul.f32 v36, v13  }
0x2ca: {  	v37 =	vmul.f32 v37, v16;
	v42 =	vld [tilespmem:s17+$0xF0]  }
0x2cb: {  	v34 =	vld [tilespmem:s17+$0x0];
	v36 =	vadd.f32 v36, v38;
	v38 =	vmul.f32 v40, v12  }
0x2cc: {  	v30 =	vadd.f32 v37, v30;
	v37 =	vmul.f32 v33, v17;
	v40 =	vld [tilespmem:s17+$0x10]  }
0x2cd: {  	v43 =	vld [tilespmem:s17+$0xFFFFFF20];
	v36 =	vadd.f32 v38, v36;
	v38 =	vmul.f32 v39, v11  }
0x2ce: {  	v39 =	vmul.f32 v41, v16;
	v41 =	vld [tilespmem:s17+$0xFFFFFFA0]  }
0x2cf: {  	v44 =	vld [tilespmem:s17+$0x20];
	v36 =	vadd.f32 v38, v36;
	v38 =	vmul.f32 v42, v10  }
0x2d0: {  	v42 =	vld [tilespmem:s17+$0xFFFFFF30];
	v37 =	vadd.f32 v39, v37;
	v39 =	vmul.f32 v34, v17  }
0x2d1: {  	v45 =	vld [tilespmem:s17+$0xFFFFFFB0];
	v40 =	vmul.f32 v40, v16;
	v36 =	vadd.f32 v38, v36  }
0x2d2: {  	v38 =	vmul.f32 v43, v15;
	v43 =	vld [tilespmem:s17+$0x30]  }
0x2d3: {  	v46 =	vld [tilespmem:s17+$0xFFFFFF40];
	v41 =	vmul.f32 v41, v15;
	v39 =	vadd.f32 v40, v39;
	(xrf2) =	vadd.scan.msk.f32 $0xffff, v36  }
0x2d4: {  	v30 =	vadd.f32 v38, v30;
	v36 =	vld [tilespmem:s17+$0xFFFFFFC0];
	v38 =	vmul.f32 v44, v15  }
0x2d5: {  	v40 =	vmul.f32 v42, v14;
	v37 =	vadd.f32 v41, v37;
	v41 =	vld [tilespmem:s17+$0x40]  }
0x2d6: {  	v42 =	vmov s18;
	v44 =	vld [tilespmem:s17+$0xFFFFFF50];
	v45 =	vmul.f32 v45, v14;
	v38 =	vadd.f32 v38, v39  }
0x2d7: {  	v39 =	vand.u32 $0xFFFFFFFC, v42;
	v30 =	vadd.f32 v40, v30;
	v40 =	vld [tilespmem:s17+$0xFFFFFFD0];
	v42 =	vmul.f32 v43, v14  }
0x2d8: {  	v43 =	vmul.f32 v46, v13;
	v37 =	vadd.f32 v45, v37;
	v45 =	vld [tilespmem:s17+$0x50];
	v46 =	vshll.u32 v19, $0x4;
	v19 =	vmovc v27  }
0x2d9: {  	v27 =	vld [tilespmem:s17+$0xFFFFFF60];
	v36 =	vmul.f32 v36, v13;
	v38 =	vadd.f32 v42, v38;
	v42 =	vor.u32 v5, v28  }
0x2da: {  	v47 =	vor.u32 v4, v21;
	v30 =	vadd.f32 v43, v30;
	v43 =	vld [tilespmem:s17+$0xFFFFFFE0];
	v41 =	vmul.f32 v41, v13  }
0x2db: {  	v46 =	vadd.s32 v9, v46;
	v44 =	vmul.f32 v44, v12;
	v36 =	vadd.f32 v36, v37;
	v37 =	vld [tilespmem:s17+$0x60]  }
0x2dc: {  	s20 =	sadd.s32 $0x3, s18;
	v48 =	vld [tilespmem:s17+$0xFFFFFF70];
	v40 =	vmul.f32 v40, v12;
	v38 =	vadd.f32 v41, v38;
	v41 =	vor.u32 v5, v24  }
0x2dd: {  	v49 =	vmov s20;
	v30 =	vadd.f32 v44, v30;
	v44 =	vld [tilespmem:s17+$0xFFFFFFF0];
	v45 =	vmul.f32 v45, v12;
	v50, _, _ =	vpop (xrf2)  }
0x2de: {  	v27 =	vmul.f32 v27, v11;
	v36 =	vadd.f32 v40, v36;
	v40 =	vld [tilespmem:s17+$0x70];
	v50 =	vmul.f32 $1.442695020e+00, v50  }
0x2df: {  	v39 =	vbroadcast v39, $0x0;
	v43 =	vmul.f32 v43, v11;
	v38 =	vadd.f32 v45, v38;
	[tilespmem:v47+s14+$0x0] =	vst.idx.add.f32.msk $0xffff, v35  }
0x2e0: {  	v27 =	vadd.f32 v27, v30;
	v30 =	vmul.f32 v37, v11;
	v35 =	vbroadcast v50, $0xF;
	v37 =	vld [tilespmem:s16+$0xFFFFFFC0]  }
0x2e1: {  	v45 =	vmul.f32 v48, v10;
	v43 =	vadd.f32 v43, v36;
	v47 =	vld [tilespmem:s16+$0x40];
	v48 =	vor.u32 v5, v21  }
0x2e2: {  	v44 =	vmul.f32 v44, v10;
	v30 =	vadd.f32 v30, v38;
	v36 =	vld.idx.msk [tilespmem:v49+s13+$0x0], $0xffff;
	(erf) = vpow2.f32 v35  }
0x2e3: {  	s20 =	sadd.s32 $0x1, s18;
	v27 =	vadd.f32 v45, v27;
	v35 =	vmul.f32 v40, v10;
	[tilespmem:v42+s14+$0x0] =	vst.idx.add.f32.msk $0xffff, v32  }
0x2e4: {  	v32 =	vmov s20;
	v38 =	vadd.f32 v44, v43;
	v40 =	vld [tilespmem:s16+$0xFFFFFF50]  }
0x2e5: {  	v30 =	vadd.f32 v35, v30;
	(xrf2) =	vadd.scan.msk.f32 $0xffff, v27;
	v27 =	vmul.f32 v37, v23;
	[tilespmem:v46+s14+$0x0] =	vst.idx.add.f32.msk $0xffff, v18  }
0x2e6: {  	v32 =	vand.u32 $0xFFFFFFFD, v32;
	v37 =	vor.u32 v6, v28;
	v18 =	vmovc v26;
	v35 =	vld.idx.msk [tilespmem:v39+s13+$0x0], $0xffff;
	v39 =	vmul.f32 v47, v26  }
0x2e7: {  	v26 =	vbroadcast v32, $0x0;
	[tilespmem:v41+s14+$0x0] =	vst.idx.add.f32.msk $0xffff, v27  }
0x2e8: {  	v32 =	vshll.u32 v36, $0x7;
	(xrf2) =	vadd.scan.msk.f32 $0xffff, v38;
	[tilespmem:v48+s14+$0x0] =	vst.idx.add.f32.msk $0xffff, v39  }
0x2e9: {  	v27 =	vor.u32 v0, v32;
	v38 =	vmul.f32 v40, v25;
	v39 =	vld [tilespmem:s16+$0xFFFFFFD0]  }
0x2ea: {  	v40 =	vld [tilespmem:s16+$0x50]  }
0x2eb: {  	(xrf2) =	vadd.scan.msk.f32 $0xffff, v30;
	v30 =	vpop (erf);
	[tilespmem:v37+s14+$0x0] =	vst.idx.add.f32.msk $0xffff, v38;
	v37 =	vor.u32 v6, v24  }
0x2ec: {  	v41 =	vor.u32 v6, v21;
	v43 =	vmul.f32 v30, v31;
	v38 =	vld [tilespmem:s16+$0xFFFFFF60]  }
0x2ed: {  	v42 =	vld.idx.msk [tilespmem:v26+s13+$0x0], $0xffff  }
0x2ee: {  	[tilespmem:v27+s14+$0x0] =	vst.idx.add.f32.msk $0xffff, v43;
	v26 =	vmul.f32 v39, v23  }
0x2ef: {  	s20 =	sadd.s32 $0x2, s18;
	s18 =	smov.u32 s19;
	v39 =	vor.u32 v7, v28;
	v27 =	vld [tilespmem:s17+$0x90];
	v31, _, _ =	vpop (xrf2);
	v44 =	vmul.f32 v40, v18  }
0x2f0: {  	v43 =	vmov s20;
	v31 =	vmul.f32 $1.442695020e+00, v31;
	[tilespmem:v37+s14+$0x0] =	vst.idx.add.f32.msk $0xffff, v26  }
0x2f1: {  	v26 =	vand.u32 $0xFFFFFFFE, v43;
	v37 =	vor.u32 v2, v32;
	v38 =	vmul.f32 v38, v25;
	[tilespmem:v41+s14+$0x0] =	vst.idx.add.f32.msk $0xffff, v44  }
0x2f2: {  	v26 =	vbroadcast v26, $0x0;
	v31 =	vbroadcast v31, $0xF;
	v40, _, _ =	vpop (xrf2);
	v41 =	vld [tilespmem:s16+$0xFFFFFFE0]  }
0x2f3: {  	v40 =	vmul.f32 $1.442695020e+00, v40;
	v43 =	vld [tilespmem:s16+$0x60]  }
0x2f4: {  	v27 =	vmul.f32 v30, v27;
	(erf) = vpow2.f32 v31;
	[tilespmem:v39+s14+$0x0] =	vst.idx.add.f32.msk $0xffff, v38;
	v31 =	vor.u32 v7, v24  }
0x2f5: {  	v44 =	vor.u32 v7, v21;
	v38 =	vbroadcast v40, $0xF;
	v39, _, _ =	vpop (xrf2);
	v40 =	vld [tilespmem:s16+$0xFFFFFF70]  }
0x2f6: {  	v39 =	vmul.f32 $1.442695020e+00, v39;
	[tilespmem:v37+s14+$0x0] =	vst.idx.add.f32.msk $0xffff, v27  }
0x2f7: {  	v37 =	vld [tilespmem:s17+$0xA0];
	(erf) = vpow2.f32 v38;
	v38 =	vmul.f32 v41, v23  }
0x2f8: {  	v27 =	vld.idx.msk [tilespmem:v26+s13+$0x0], $0xffff;
	v26 =	vbroadcast v39, $0xF;
	v39 =	vor.u32 v8, v28;
	v41 =	vmul.f32 v43, v18  }
0x2f9: {  	v43 =	vor.u32 v3, v32;
	[tilespmem:v31+s14+$0x0] =	vst.idx.add.f32.msk $0xffff, v38  }
0x2fa: {  	v28 =	vshll.u32 v35, $0x7;
	(erf) = vpow2.f32 v26;
	v26 =	vmul.f32 v40, v25;
	[tilespmem:v44+s14+$0x0] =	vst.idx.add.f32.msk $0xffff, v41  }
0x2fb: {  	v31 =	vor.u32 v0, v28;
	v38 =	vld [tilespmem:s16+$0xFFFFFFF0]  }
0x2fc: {  	v40 =	vshll.u32 v22, $0x4;
	v22 =	vmov v35;
	v37 =	vmul.f32 v30, v37;
	v41 =	vld [tilespmem:s16+$0x70];
	s16 =	smov.u32 s17  }
0x2fd: {  	v35 =	vshll.u32 v42, $0x7;
	v44 =	vpop (erf);
	[tilespmem:v39+s14+$0x0] =	vst.idx.add.f32.msk $0xffff, v26;
	v26 =	vadd.s32 v9, v40  }
0x2fe: {  	v39 =	vor.u32 v0, v35;
	v40 =	vmul.f32 v44, v29;
	[tilespmem:v43+s14+$0x0] =	vst.idx.add.f32.msk $0xffff, v37  }
0x2ff: {  	v37 =	vld [tilespmem:s17+$0xB0]  }
0x300: {  	[tilespmem:v31+s14+$0x0] =	vst.idx.add.f32.msk $0xffff, v40;
	v29 =	vpop (erf);
	v31 =	vmul.f32 v38, v23;
	v38 =	vor.u32 v8, v24;
	v24 =	vmov v35  }
0x301: {  	v40 =	vor.u32 v4, v32;
	v35 =	vld [tilespmem:s17+$0xFFFFFF10];
	v33 =	vmul.f32 v29, v33;
	v41 =	vmul.f32 v41, v18  }
0x302: {  	v43 =	vshll.u32 v27, $0x7;
	[tilespmem:v26+s14+$0x0] =	vst.idx.add.f32.msk $0xffff, v25;
	v25 =	vmov v44  }
0x303: {  	[tilespmem:v39+s14+$0x0] =	vst.idx.add.f32.msk $0xffff, v33;
	v33 =	vor.u32 v0, v43;
	v26 =	vpop (erf)  }
0x304: {  	v39 =	vld [tilespmem:s17+$0xFFFFFF90];
	v34 =	vmul.f32 v26, v34;
	v37 =	vmul.f32 v30, v37  }
0x305: {  	v44 =	vor.u32 v2, v28;
	[tilespmem:v38+s14+$0x0] =	vst.idx.add.f32.msk $0xffff, v31  }
0x306: {  	v31 =	vmul.f32 v25, v35;
	v35 =	vor.u32 v2, v24;
	[tilespmem:v40+s14+$0x0] =	vst.idx.add.f32.msk $0xffff, v37  }
0x307: {  	v37 =	vld [tilespmem:s17+$0xC0]  }
0x308: {  	[tilespmem:v33+s14+$0x0] =	vst.idx.add.f32.msk $0xffff, v34  }
0x309: {  	v38 =	vor.u32 v5, v32;
	v33 =	vmul.f32 v29, v39;
	v34 =	vld [tilespmem:s17+$0x10]  }
0x30a: {  	[tilespmem:v44+s14+$0x0] =	vst.idx.add.f32.msk $0xffff, v31  }
0x30b: {  	v31 =	vor.u32 v2, v43;
	[tilespmem:v35+s14+$0x0] =	vst.idx.add.f32.msk $0xffff, v33  }
0x30c: {  	v33 =	vld [tilespmem:s17+$0xFFFFFF20];
	v35 =	vmul.f32 v37, v30;
	v37 =	vshll.u32 v20, $0x4;
	v20 =	vmov v42  }
0x30d: {  	v39 =	vld [tilespmem:s17+$0xFFFFFFA0];
	v37 =	vadd.s32 v9, v37  }
0x30e: {  	v40 =	vor.u32 v3, v28;
	v34 =	vmul.f32 v26, v34;
	[tilespmem:v38+s14+$0x0] =	vst.idx.add.f32.msk $0xffff, v35  }
0x30f: {  	v35 =	vor.u32 v3, v24;
	v38 =	vld [tilespmem:s17+$0xD0]  }
0x310: {  	[tilespmem:v31+s14+$0x0] =	vst.idx.add.f32.msk $0xffff, v34  }
0x311: {  	v34 =	vor.u32 v6, v32;
	v31 =	vmul.f32 v25, v33;
	v33 =	vld [tilespmem:s17+$0x20]  }
0x312: {  	v39 =	vmul.f32 v29, v39;
	[tilespmem:v37+s14+$0x0] =	vst.idx.add.f32.msk $0xffff, v23;
	v23 =	vmov v29  }
0x313: {  	v29 =	vor.u32 v3, v43;
	[tilespmem:v40+s14+$0x0] =	vst.idx.add.f32.msk $0xffff, v31  }
0x314: {  	[tilespmem:v35+s14+$0x0] =	vst.idx.add.f32.msk $0xffff, v39;
	v31 =	vmul.f32 v38, v30  }
0x315: {  	v35 =	vld [tilespmem:s17+$0xFFFFFF30]  }
0x316: {  	v33 =	vmul.f32 v26, v33;
	[tilespmem:v34+s14+$0x0] =	vst.idx.add.f32.msk $0xffff, v31;
	v31 =	vor.u32 v8, v21;
	v21 =	vmov v43  }
0x317: {  	v34 =	vor.u32 v4, v28;
	v37 =	vld [tilespmem:s17+$0xE0]  }
0x318: {  	[tilespmem:v29+s14+$0x0] =	vst.idx.add.f32.msk $0xffff, v33  }
0x319: {  	v33 =	vor.u32 v7, v32;
	v29 =	vld [tilespmem:s17+$0xFFFFFFB0]  }
0x31a: {  	v35 =	vmul.f32 v25, v35;
	v38 =	vld [tilespmem:s17+$0x30]  }
0x31b: {  	v39 =	vor.u32 v4, v24;
	[tilespmem:v31+s14+$0x0] =	vst.idx.add.f32.msk $0xffff, v41  }
0x31c: {  	[tilespmem:v34+s14+$0x0] =	vst.idx.add.f32.msk $0xffff, v35;
	v31 =	vmul.f32 v37, v30  }
0x31d: {  	v40 =	vld [tilespmem:s17+$0xFFFFFF40]  }
0x31e: {  	v29 =	vmul.f32 v23, v29;
	[tilespmem:v33+s14+$0x0] =	vst.idx.add.f32.msk $0xffff, v31  }
.Ltmp9:
0x31f: {  	v35 =	vmul.f32 v26, v38;
	v33 =	vld [tilespmem:s17+$0xF0];
	(pc) =	sbr.rel @p1 .LBB2_11-.Ltmp9, $4  }
0x320: {  	s17 =	sadd.s32 $0x200, s17;
	[tilespmem:v39+s14+$0x0] =	vst.idx.add.f32.msk $0xffff, v29  }
0x321: {  	v37 =	vor.u32 v8, v32;
	v29 =	vshll.u32 v36, $0x4;
	v31 =	vld [tilespmem:s17+$0x80]  }
0x322: {  	v36 =	vadd.s32 v9, v29;
	v34 =	vld [tilespmem:s17+$0x90];
	v32 =	vmul.f32 v40, v25  }
0x323: {  	s19 =	sadd.s32 $0x4, s19;
	v29 =	vld [tilespmem:s17+$0xFFFFFF00]  }
0x324: {  	v38 =	vld [tilespmem:s17+$0xA0]  }
0x325: {  	v39 =	vld [tilespmem:s17+$0xB0]  }
0x326: {  	v53 =	vld [tilespmem:s17+$0xC0]  }
0x327: {  	v56 =	vld [tilespmem:s17+$0xD0]  }
0x328: {  	v57 =	vld [tilespmem:s17+$0xFFFFFF10]  }
0x329: {  	v59 =	vld [tilespmem:s17+$0xE0]  }
0x32a: {  	v60 =	vld [tilespmem:s17+$0xF0];
	v52 =	vmul.f32 v31, v17;
	v34 =	vmul.f32 v34, v16  }
0x32b: {  	v40 =	vld [tilespmem:s17+$0xFFFFFF90]  }
0x32c: {  	v33 =	vmul.f32 v33, v30;
	v41 =	vld [tilespmem:s17+$0x10];
	v54 =	vadd.f32 v34, v52;
	v55 =	vmul.f32 v38, v15  }
0x32d: {  	v62 =	vld [tilespmem:s17+$0xFFFFFF20]  }
0x32e: {  	[tilespmem:v37+s14+$0x0] =	vst.idx.add.f32.msk $0xffff, v33;
	v58 =	vmul.f32 v39, v14;
	v33 =	vadd.f32 v55, v54  }
0x32f: {  	v42 =	vld [tilespmem:s17+$0xFFFFFFA0]  }
0x330: {  	v48 =	vld [tilespmem:s17+$0x20];
	v37 =	vmul.f32 v53, v13;
	v33 =	vadd.f32 v58, v33  }
0x331: {  	v44 =	vld [tilespmem:s17+$0xFFFFFF30]  }
0x332: {  	v45 =	vld [tilespmem:s17+$0xFFFFFFB0];
	v34 =	vmul.f32 v56, v12;
	v37 =	vadd.f32 v37, v33  }
0x333: {  	v51 =	vld [tilespmem:s17+$0x30]  }
0x334: {  	v19 =	vshll.u32 v19, $0x4;
	[tilespmem:v36+s14+$0x0] =	vst.idx.add.f32.msk $0xffff, v30;
	v61 =	vmul.f32 v59, v11;
	v34 =	vadd.f32 v34, v37  }
0x335: {  	v19 =	vadd.s32 v9, v19;
	v30 =	vld [tilespmem:s17+$0xFFFFFF80]  }
0x336: {  	v63 =	vmul.f32 v60, v10;
	v53 =	vld [tilespmem:s17+$0xFFFFFF40];
	v34 =	vadd.f32 v61, v34  }
0x337: {  	v43 =	vmul.f32 v29, v17;
	v55 =	vld [tilespmem:s17+$0xFFFFFFC0]  }
0x338: {  	v36 =	vmul.f32 v57, v16;
	v40 =	vmul.f32 v40, v16;
	v33 =	vld [tilespmem:s17+$0x0];
	v34 =	vadd.f32 v63, v34  }
0x339: {  	v39 =	vmul.f32 v62, v15;
	v62 =	vmul.f32 v45, v14;
	v45 =	vld [tilespmem:s17+$0xFFFFFFD0]  }
0x33a: {  	v52 =	vmul.f32 v41, v16;
	v57 =	vmul.f32 v48, v15;
	[tilespmem:v19+s14+$0x0] =	vst.idx.add.f32.msk $0xffff, v18;
	(xrf2) =	vadd.scan.msk.f32 $0xffff, v34  }
0x33b: {  	v59 =	vmul.f32 v44, v14;
	v36 =	vadd.f32 v36, v43;
	v54 =	vmul.f32 v42, v15;
	v58 =	vld [tilespmem:s17+$0x40]  }
0x33c: {  	v48 =	vld [tilespmem:s17+$0x50];
	v49 =	vmul.f32 v30, v17;
	v47 =	vmul.f32 v53, v13;
	v53 =	vor.u32 v5, v28  }
0x33d: {  	v42 =	vmul.f32 v55, v13;
	v55 =	vld [tilespmem:s17+$0xFFFFFF70];
	v50 =	vmul.f32 v33, v17  }
0x33e: {  	v60 =	vmov s18;
	v56 =	vadd.f32 v39, v36;
	v37 =	vadd.f32 v40, v49;
	v61 =	vld [tilespmem:s17+$0xFFFFFF50]  }
0x33f: {  	v46 =	vmul.f32 v51, v14;
	v39 =	vmul.f32 v45, v12;
	v49 =	vld [tilespmem:s17+$0xFFFFFF60];
	v16 =	vadd.f32 v52, v50  }
0x340: {  	s19 =	sadd.s32 $0x3, s18;
	v51 =	vmul.f32 v58, v13;
	v58 =	vld [tilespmem:s17+$0xFFFFFFF0];
	v37 =	vadd.f32 v54, v37;
	v17 =	vadd.f32 v59, v56  }
0x341: {  	[tilespmem:v53+s14+$0x0] =	vst.idx.add.f32.msk $0xffff, v32;
	v59 =	vmov s19;
	v63 =	vand.u32 $0xFFFFFFFC, v60;
	v15 =	vadd.f32 v57, v16  }
0x342: {  	v56 =	vld [tilespmem:s17+$0x60];
	v37 =	vadd.f32 v62, v37;
	v60 =	vmul.f32 v48, v12;
	v52 =	vor.u32 v4, v21  }
0x343: {  	v50 =	vld [tilespmem:s17+$0xFFFFFFE0];
	v17 =	vadd.f32 v47, v17;
	v54 =	vmul.f32 v61, v12;
	v14 =	vadd.f32 v46, v15  }
0x344: {  	v45 =	vmul.f32 v55, v10;
	v37 =	vadd.f32 v42, v37;
	v61 =	vmul.f32 v49, v11;
	v57, _, _ =	vpop (xrf2)  }
0x345: {  	v32 =	vld [tilespmem:s16+$0xFFFFFF50];
	v17 =	vadd.f32 v54, v17;
	v13 =	vadd.f32 v51, v14;
	v14 =	vmul.f32 $1.442695020e+00, v57  }
0x346: {  	v62 =	vld [tilespmem:s17+$0x70];
	v34 =	vmul.f32 v58, v10;
	v16 =	vbroadcast v63, $0x0  }
0x347: {  	v63 =	vld [tilespmem:s16+$0xFFFFFFC0];
	v37 =	vadd.f32 v39, v37;
	v17 =	vadd.f32 v61, v17;
	v14 =	vbroadcast v14, $0xF  }
0x348: {  	v48 =	vmul.f32 v56, v11;
	[tilespmem:v52+s14+$0x0] =	vst.idx.add.f32.msk $0xffff, v35;
	v15 =	vmul.f32 v50, v11  }
0x349: {  	v46 =	vor.u32 v5, v24;
	v11 =	vld.idx.msk [tilespmem:v59+s13+$0x0], $0xffff;
	v17 =	vadd.f32 v45, v17;
	(erf) = vpow2.f32 v14  }
0x34a: {  	s30 =	sadd.s32 $0x1, s18;
	v52 =	vor.u32 v6, v28;
	v47 =	vld [tilespmem:s16+$0x40];
	v15 =	vadd.f32 v15, v37;
	v12 =	vadd.f32 v60, v13  }
0x34b: {  	v53 =	vmov s30;
	v49 =	vor.u32 v5, v21;
	v51 =	vmul.f32 v62, v10;
	(xrf2) =	vadd.scan.msk.f32 $0xffff, v17  }
0x34c: {  	v50 =	vmul.f32 v63, v23;
	v15 =	vadd.f32 v34, v15;
	v12 =	vadd.f32 v48, v12  }
0x34d: {  	v56 =	vmul.f32 v32, v25;
	v54 =	vand.u32 $0xFFFFFFFD, v53;
	v10 =	vld.idx.msk [tilespmem:v16+s13+$0x0], $0xffff  }
0x34e: {  	[tilespmem:v46+s14+$0x0] =	vst.idx.add.f32.msk $0xffff, v50;
	(xrf2) =	vadd.scan.msk.f32 $0xffff, v15;
	v12 =	vadd.f32 v51, v12;
	v15 =	vbroadcast v54, $0x0  }
0x34f: {  	[tilespmem:v52+s14+$0x0] =	vst.idx.add.f32.msk $0xffff, v56;
	v13 =	vmul.f32 v47, v26;
	v14 =	vshll.u32 v11, $0x7  }
0x350: {  	v57 =	vld [tilespmem:s16+$0xFFFFFFD0];
	v55 =	vor.u32 v0, v14  }
0x351: {  	[tilespmem:v49+s14+$0x0] =	vst.idx.add.f32.msk $0xffff, v13;
	(xrf2) =	vadd.scan.msk.f32 $0xffff, v12  }
0x352: {  	v59 =	vor.u32 v6, v24;
	v58 =	vld [tilespmem:s16+$0x50];
	v12 =	vpop (erf)  }
0x353: {  	v61 =	vld [tilespmem:s16+$0xFFFFFF60];
	v60 =	vmul.f32 v12, v31  }
0x354: {  	v62 =	vor.u32 v6, v21;
	v13 =	vld.idx.msk [tilespmem:v15+s13+$0x0], $0xffff  }
0x355: {  	v63 =	vmul.f32 v57, v23;
	v37, _, _ =	vpop (xrf2);
	[tilespmem:v55+s14+$0x0] =	vst.idx.add.f32.msk $0xffff, v60  }
0x356: {  	s31 =	sadd.s32 $0x2, s18;
	v38 =	vor.u32 v7, v28;
	v40 =	vmul.f32 $1.442695020e+00, v37;
	v36 =	vld [tilespmem:s17+$0x90]  }
0x357: {  	v41 =	vmov s31;
	v39 =	vmul.f32 v58, v26;
	[tilespmem:v59+s14+$0x0] =	vst.idx.add.f32.msk $0xffff, v63  }
0x358: {  	v42 =	vand.u32 $0xFFFFFFFE, v41;
	v43 =	vor.u32 v2, v14;
	v46 =	vld [tilespmem:s16+$0xFFFFFFE0];
	v44 =	vbroadcast v40, $0xF  }
0x359: {  	v16 =	vbroadcast v42, $0x0;
	[tilespmem:v62+s14+$0x0] =	vst.idx.add.f32.msk $0xffff, v39;
	v45, _, _ =	vpop (xrf2);
	v31 =	vmul.f32 v61, v25  }
0x35a: {  	v47 =	vld [tilespmem:s16+$0x60];
	v19 =	vmul.f32 $1.442695020e+00, v45;
	(erf) = vpow2.f32 v44  }
0x35b: {  	v48 =	vor.u32 v7, v24;
	v50, _, _ =	vpop (xrf2);
	[tilespmem:v38+s14+$0x0] =	vst.idx.add.f32.msk $0xffff, v31;
	v18 =	vmul.f32 v12, v36  }
0x35c: {  	v49 =	vbroadcast v19, $0xF;
	v19 =	vmul.f32 $1.442695020e+00, v50;
	v35 =	vld [tilespmem:s16+$0xFFFFFF70]  }
0x35d: {  	v51 =	vor.u32 v7, v21;
	v52 =	vmul.f32 v46, v23;
	[tilespmem:v43+s14+$0x0] =	vst.idx.add.f32.msk $0xffff, v18  }
0x35e: {  	v22 =	vshll.u32 v22, $0x4;
	(erf) = vpow2.f32 v49;
	v19 =	vbroadcast v19, $0xF;
	v17 =	vld [tilespmem:s17+$0xA0]  }
0x35f: {  	v53 =	vor.u32 v8, v28;
	v15 =	vld.idx.msk [tilespmem:v16+s13+$0x0], $0xffff;
	v59 =	vadd.s32 v9, v22  }
0x360: {  	v54 =	vmul.f32 v47, v26;
	[tilespmem:v48+s14+$0x0] =	vst.idx.add.f32.msk $0xffff, v52;
	(erf) = vpow2.f32 v19;
	v18 =	vshll.u32 v10, $0x7  }
0x361: {  	v58 =	vld [tilespmem:s16+$0xFFFFFFF0];
	v57 =	vor.u32 v0, v18  }
0x362: {  	v55 =	vor.u32 v3, v14;
	[tilespmem:v51+s14+$0x0] =	vst.idx.add.f32.msk $0xffff, v54;
	v56 =	vmul.f32 v35, v25  }
0x363: {  	v35 =	vld [tilespmem:s16+$0x70];
	v16 =	vpop (erf);
	v17 =	vmul.f32 v12, v17  }
0x364: {  	v36 =	vshll.u32 v13, $0x7;
	[tilespmem:v53+s14+$0x0] =	vst.idx.add.f32.msk $0xffff, v56;
	v60 =	vmul.f32 v16, v29  }
0x365: {  	v61 =	vor.u32 v0, v36;
	[tilespmem:v59+s14+$0x0] =	vst.idx.add.f32.msk $0xffff, v25  }
0x366: {  	v32 =	vshll.u32 v15, $0x7;
	[tilespmem:v57+s14+$0x0] =	vst.idx.add.f32.msk $0xffff, v60  }
0x367: {  	v63 =	vor.u32 v0, v32;
	[tilespmem:v55+s14+$0x0] =	vst.idx.add.f32.msk $0xffff, v17;
	v17 =	vpop (erf)  }
0x368: {  	v31 =	vld [tilespmem:s17+$0xFFFFFF10];
	v30 =	vmul.f32 v17, v30  }
0x369: {  	v45 =	vor.u32 v8, v24;
	v62 =	vld [tilespmem:s17+$0xB0];
	v19 =	vpop (erf)  }
0x36a: {  	v42 =	vor.u32 v2, v18;
	v41 =	vmul.f32 v19, v33;
	[tilespmem:v61+s14+$0x0] =	vst.idx.add.f32.msk $0xffff, v30  }
0x36b: {  	v28 =	vld [tilespmem:s17+$0xFFFFFF90]  }
0x36c: {  	v40 =	vor.u32 v4, v14;
	v34 =	vmul.f32 v58, v23;
	[tilespmem:v63+s14+$0x0] =	vst.idx.add.f32.msk $0xffff, v41  }
0x36d: {  	v43 =	vor.u32 v2, v36;
	v31 =	vmul.f32 v16, v31;
	v25 =	vld [tilespmem:s17+$0x10]  }
0x36e: {  	[tilespmem:v45+s14+$0x0] =	vst.idx.add.f32.msk $0xffff, v34  }
0x36f: {  	v44 =	vor.u32 v2, v32;
	v29 =	vmul.f32 v12, v62;
	[tilespmem:v42+s14+$0x0] =	vst.idx.add.f32.msk $0xffff, v31  }
0x370: {  	v30 =	vld [tilespmem:s17+$0xFFFFFF20];
	v28 =	vmul.f32 v17, v28  }
0x371: {  	v20 =	vshll.u32 v20, $0x4;
	[tilespmem:v40+s14+$0x0] =	vst.idx.add.f32.msk $0xffff, v29  }
0x372: {  	v20 =	vadd.s32 v9, v20;
	v47 =	vmul.f32 v19, v25;
	[tilespmem:v43+s14+$0x0] =	vst.idx.add.f32.msk $0xffff, v28  }
0x373: {  	v49 =	vor.u32 v3, v18;
	v48 =	vld [tilespmem:s17+$0xFFFFFFA0]  }
0x374: {  	[tilespmem:v44+s14+$0x0] =	vst.idx.add.f32.msk $0xffff, v47  }
0x375: {  	v51 =	vor.u32 v3, v36;
	v33 =	vld [tilespmem:s17+$0x20]  }
0x376: {  	v29 =	vld [tilespmem:s17+$0xC0];
	v52 =	vmul.f32 v16, v30  }
0x377: {  	v53 =	vor.u32 v3, v32;
	[tilespmem:v20+s14+$0x0] =	vst.idx.add.f32.msk $0xffff, v23  }
0x378: {  	[tilespmem:v49+s14+$0x0] =	vst.idx.add.f32.msk $0xffff, v52;
	v25 =	vmul.f32 v17, v48  }
0x379: {  	v46 =	vor.u32 v5, v14;
	v24 =	vld [tilespmem:s17+$0xFFFFFF30]  }
0x37a: {  	v54 =	vmul.f32 v19, v33;
	[tilespmem:v51+s14+$0x0] =	vst.idx.add.f32.msk $0xffff, v25  }
0x37b: {  	v55 =	vor.u32 v4, v18;
	v50 =	vmul.f32 v29, v12;
	v29 =	vld [tilespmem:s17+$0xFFFFFFB0]  }
0x37c: {  	[tilespmem:v53+s14+$0x0] =	vst.idx.add.f32.msk $0xffff, v54  }
0x37d: {  	v56 =	vor.u32 v4, v36;
	v22 =	vld [tilespmem:s17+$0x30]  }
0x37e: {  	[tilespmem:v46+s14+$0x0] =	vst.idx.add.f32.msk $0xffff, v50;
	v24 =	vmul.f32 v16, v24  }
0x37f: {  	v58 =	vor.u32 v4, v32;
	v57 =	vld [tilespmem:s17+$0xD0]  }
0x380: {  	[tilespmem:v55+s14+$0x0] =	vst.idx.add.f32.msk $0xffff, v24;
	v59 =	vmul.f32 v17, v29  }
0x381: {  	v60 =	vor.u32 v6, v14;
	v28 =	vld [tilespmem:s17+$0xFFFFFF40]  }
0x382: {  	v22 =	vmul.f32 v19, v22;
	[tilespmem:v56+s14+$0x0] =	vst.idx.add.f32.msk $0xffff, v59  }
0x383: {  	v61 =	vor.u32 v5, v18;
	v25 =	vld [tilespmem:s17+$0xFFFFFFC0]  }
0x384: {  	v62 =	vmul.f32 v57, v12;
	[tilespmem:v58+s14+$0x0] =	vst.idx.add.f32.msk $0xffff, v22  }
0x385: {  	v63 =	vor.u32 v5, v36;
	v22 =	vld [tilespmem:s17+$0x40]  }
0x386: {  	[tilespmem:v60+s14+$0x0] =	vst.idx.add.f32.msk $0xffff, v62;
	v33 =	vmul.f32 v28, v16  }
0x387: {  	v37 =	vor.u32 v5, v32;
	v34 =	vld [tilespmem:s17+$0xE0]  }
0x388: {  	[tilespmem:v61+s14+$0x0] =	vst.idx.add.f32.msk $0xffff, v33;
	v38 =	vmul.f32 v25, v17  }
0x389: {  	v39 =	vor.u32 v7, v14;
	v40 =	vld [tilespmem:s17+$0xFFFFFF50]  }
0x38a: {  	v22 =	vmul.f32 v22, v19;
	[tilespmem:v63+s14+$0x0] =	vst.idx.add.f32.msk $0xffff, v38  }
0x38b: {  	v41 =	vor.u32 v6, v18;
	v23 =	vld [tilespmem:s17+$0xFFFFFFD0]  }
0x38c: {  	v28 =	vmul.f32 v34, v12;
	[tilespmem:v37+s14+$0x0] =	vst.idx.add.f32.msk $0xffff, v22  }
0x38d: {  	v42 =	vor.u32 v6, v36;
	v22 =	vld [tilespmem:s17+$0x50]  }
0x38e: {  	[tilespmem:v39+s14+$0x0] =	vst.idx.add.f32.msk $0xffff, v28;
	v43 =	vmul.f32 v40, v16  }
0x38f: {  	v45 =	vor.u32 v6, v32;
	v44 =	vld [tilespmem:s17+$0xF0]  }
0x390: {  	[tilespmem:v41+s14+$0x0] =	vst.idx.add.f32.msk $0xffff, v43;
	v46 =	vmul.f32 v23, v17  }
0x391: {  	v47 =	vor.u32 v8, v21;
	v48 =	vld [tilespmem:s17+$0xFFFFFF60]  }
0x392: {  	v14 =	vor.u32 v8, v14;
	v22 =	vmul.f32 v22, v19;
	[tilespmem:v42+s14+$0x0] =	vst.idx.add.f32.msk $0xffff, v46  }
0x393: {  	v49 =	vor.u32 v7, v18;
	v50 =	vld [tilespmem:s17+$0xFFFFFFE0]  }
0x394: {  	v51 =	vmul.f32 v35, v26;
	[tilespmem:v45+s14+$0x0] =	vst.idx.add.f32.msk $0xffff, v22  }
0x395: {  	v54 =	vor.u32 v7, v36;
	v52 =	vmul.f32 v44, v12;
	v53 =	vld [tilespmem:s17+$0x60]  }
0x396: {  	[tilespmem:v47+s14+$0x0] =	vst.idx.add.f32.msk $0xffff, v51;
	v55 =	vmul.f32 v48, v16  }
0x397: {  	v56 =	vor.u32 v7, v32;
	[tilespmem:v14+s14+$0x0] =	vst.idx.add.f32.msk $0xffff, v52  }
0x398: {  	v11 =	vshll.u32 v11, $0x4;
	[tilespmem:v49+s14+$0x0] =	vst.idx.add.f32.msk $0xffff, v55;
	v57 =	vmul.f32 v50, v17  }
0x399: {  	v11 =	vadd.s32 v9, v11;
	v58 =	vshll.u32 v27, $0x4;
	v59 =	vld [tilespmem:s17+$0xFFFFFF70]  }
0x39a: {  	v21 =	vadd.s32 v9, v58;
	v60 =	vmul.f32 v53, v19;
	[tilespmem:v54+s14+$0x0] =	vst.idx.add.f32.msk $0xffff, v57  }
0x39b: {  	v10 =	vshll.u32 v10, $0x4;
	v18 =	vor.u32 v8, v18;
	v20 =	vld [tilespmem:s17+$0xFFFFFFF0]  }
0x39c: {  	v10 =	vadd.s32 v9, v10;
	[tilespmem:v56+s14+$0x0] =	vst.idx.add.f32.msk $0xffff, v60  }
0x39d: {  	v13 =	vshll.u32 v13, $0x4;
	v61 =	vor.u32 v8, v36;
	v14 =	vld [tilespmem:s17+$0x70]  }
0x39e: {  	v62 =	vadd.s32 v9, v13;
	[tilespmem:v11+s14+$0x0] =	vst.idx.add.f32.msk $0xffff, v12;
	v11 =	vmul.f32 v59, v16  }
0x39f: {  	v15 =	vshll.u32 v15, $0x4;
	[tilespmem:v21+s14+$0x0] =	vst.idx.add.f32.msk $0xffff, v26;
	v63 =	vor.u32 v8, v32  }
0x3a0: {  	v15 =	vadd.s32 v9, v15;
	[tilespmem:v18+s14+$0x0] =	vst.idx.add.f32.msk $0xffff, v11;
	v11 =	vmul.f32 v20, v17  }
.Ltmp10:
0x3a1: {  	[tilespmem:v10+s14+$0x0] =	vst.idx.add.f32.msk $0xffff, v16;
	(pc) =	sbr.rel .LBB2_13-.Ltmp10, $4  }
0x3a2: {  	v10 =	vmul.f32 v14, v19;
	[tilespmem:v61+s14+$0x0] =	vst.idx.add.f32.msk $0xffff, v11  }
0x3a3: {  	[tilespmem:v62+s14+$0x0] =	vst.idx.add.f32.msk $0xffff, v17  }
0x3a4: {  	[tilespmem:v63+s14+$0x0] =	vst.idx.add.f32.msk $0xffff, v10  }
0x3a5: {  	[tilespmem:v15+s14+$0x0] =	vst.idx.add.f32.msk $0xffff, v19  }
.LBB2_14:
0x3a6: {  	_ =	sfence.sel $0x180000  }
0x3a7: {  	[bflag:$0x0] =	sbarrier.arrive $0xFFFF  }
0x3a8: {  	p0 =	sne.s32 s0, $0x0;
	_ =	strace $0x90000047  }
0x3a9: {  	s0 =	sadd.s32 @!p0 $0x100000, s3;
	[bflag:$0x2] =	sbarrier.arrive $0xFFFF  }
0x3aa: {  	[sflag:s0] =	ssyncadd.tile.s32 @!p0 $0x1;
	_ =	shalt  }
.Lfunc_end2:
_tile_overlayer_lowered:
.L_overlay_start_2:
0x3ab: {  	(tag) =	ssettag $0x2  }
0x3ac: {  	s0 =	rddreg [dreg:$0x0];
	s2 =	stileid.u32  }
0x3ad: {  	s1 =	rddreg [dreg:$0x1];
	p0 =	sne.s32 s2, $0x0  }
0x3ae: {  	s3 =	rddreg [dreg:$0x2];
	[bflag:$0x3] =	sbarrier.arrive $0xFFFF;
	s2 =	simm.s32 @!p0 $0x1C01  }
0x3af: {  	[timem:s3], [sflag:s2] =	dma.local @!p0 [hbm:s0], s1  }
0x3b0: {  	s0 =	simm.s32 @!p0 $0x1  }
0x3b1: {  	_ =	swait.ge @!p0 [sflag:s0], s1  }
0x3b2: {  	s1 =	ssub.s32 @!p0 $0x0, s1;
	[sflag:s0] =	ssyncset.done @!p0 $0x0  }
0x3b3: {  	[sflag:s0] =	ssyncadd.s32 @!p0 s1  }
0x3b4: {  	[bflag:$0x3] =	sbarrier.arrive $0xFFFF  }
0x3b5: {  	_ =	shalt  }

</sc_bundles>
